<compile_context>
chip_gen: v7x
topology: tpu7x:2x2x1
jax: 0.10.2.dev20260603
libtpu: 0.0.44.dev20260713+nightly
codegen_flags: <defaults>
</compile_context>

<pallas_src>
import jax
import jax.numpy as jnp
from jax import lax
from jax.experimental import pallas as pl
from jax.experimental.pallas import tpu as pltpu
from jax.experimental.pallas import tpu_sc as plsc

N = 10000
E = 320000
D = 128

NC = 2
NS = 16
NW = NC * NS

CHUNK = 128
NCH0 = 92
NCH1 = 65
MAXNCH = max(NCH0, NCH1)
SBCH = 16
NSB0 = -(-NCH0 // SBCH)
NSB1 = -(-NCH1 // SBCH)
E0 = NS * NCH0 * CHUNK
E1 = NS * NCH1 * CHUNK
E_PAD = E0 + E1
N_PAD = 10112
ROWS_PER_TILE = N_PAD // NS


def _sc_body(x_hbm, row0_hbm, col0_hbm, row1_hbm, col1_hbm, zero_hbm, out_hbm,
             row_v, col_v, buf, sem, agg_sh):
    cid = lax.axis_index("c")
    sid = lax.axis_index("s")

    pltpu.sync_copy(
        zero_hbm.at[pl.ds(sid * ROWS_PER_TILE, ROWS_PER_TILE)],
        agg_sh.at[pl.ds(sid * ROWS_PER_TILE, ROWS_PER_TILE)],
    )
    plsc.subcore_barrier()

    def run(row_hbm, col_hbm, nch, nsb):
        pltpu.sync_copy(col_hbm.at[sid], col_v.at[pl.ds(0, nch)])

        def sblock(s, c):
            pltpu.sync_copy(row_hbm.at[sid, s], row_v)

            def step(j, c2):
                i = s * SBCH + j
                pltpu.sync_copy(buf, agg_sh.at[row_v.at[j]], add=True)
                return c2

            return lax.fori_loop(0, jnp.minimum(SBCH, nch - s * SBCH), step, c)

        lax.fori_loop(0, nsb, sblock, 0)

    @pl.when(cid == 0)
    def _():
        run(row0_hbm, col0_hbm, NCH0, NSB0)

    @pl.when(cid == 1)
    def _():
        run(row1_hbm, col1_hbm, NCH1, NSB1)

    plsc.subcore_barrier()

    pltpu.sync_copy(
        agg_sh.at[pl.ds(sid * ROWS_PER_TILE, ROWS_PER_TILE)],
        out_hbm.at[cid, pl.ds(sid * ROWS_PER_TILE, ROWS_PER_TILE)],
    )


@jax.jit
def _sc_aggregate(x, row0, col0, row1, col1, zeros):
    mesh = plsc.VectorSubcoreMesh(core_axis_name="c", subcore_axis_name="s")
    return pl.kernel(
        _sc_body,
        out_type=jax.ShapeDtypeStruct((NC, N_PAD, D), jnp.float32),
        mesh=mesh,
        scratch_types=[
            pltpu.VMEM((SBCH, CHUNK), jnp.int32),
            pltpu.VMEM((MAXNCH, CHUNK), jnp.int32),
            pltpu.VMEM((CHUNK, D), jnp.float32),
            pltpu.SemaphoreType.DMA,
            pltpu.VMEM_SHARED((N_PAD, D), jnp.float32),
        ],
    )(x, row0, col0, row1, col1, zeros)


def _tc_body(x_ref, p_ref, w1_ref, b1_ref, w2_ref, b2_ref, g_ref, bt_ref, o_ref):
    h = x_ref[...] + p_ref[0, :N, :] + p_ref[1, :N, :]
    h = lax.dot_general(h, w1_ref[...], (((1,), (1,)), ((), ())),
                        preferred_element_type=jnp.float32) + b1_ref[...]
    h = jnp.maximum(h, 0.0)
    h = lax.dot_general(h, w2_ref[...], (((1,), (1,)), ((), ())),
                        preferred_element_type=jnp.float32) + b2_ref[...]
    mean = jnp.mean(h, axis=0)
    var = jnp.mean(h * h, axis=0) - mean * mean
    o_ref[...] = (h - mean) * lax.rsqrt(var + 1e-5) * g_ref[...] + bt_ref[...]


@jax.jit
def _tc_mlp_bn(x, partials, W1, b1, W2, b2, gamma, beta):
    return pl.pallas_call(
        _tc_body,
        out_shape=jax.ShapeDtypeStruct((N, D), jnp.float32),
    )(x, partials, W1, b1, W2, b2, gamma, beta)


def kernel(x, edge_index, W1, b1, W2, b2, gamma, beta):
    row = edge_index[0].astype(jnp.int32)
    col = edge_index[1].astype(jnp.int32)
    pad = E_PAD - E
    row_p = jnp.concatenate([row, jnp.full((pad,), N, jnp.int32)])
    col_p = jnp.concatenate([col, jnp.zeros((pad,), jnp.int32)])
    def _pad_rows(r, nch, nsb):
        r = r.reshape(NS, nch, CHUNK)
        return jnp.pad(r, ((0, 0), (0, nsb * SBCH - nch), (0, 0)),
                       constant_values=N).reshape(NS, nsb, SBCH, CHUNK)

    row0 = _pad_rows(row_p[:E0], NCH0, NSB0)
    col0 = col_p[:E0].reshape(NS, NCH0, CHUNK)
    row1 = _pad_rows(row_p[E0:], NCH1, NSB1)
    col1 = col_p[E0:].reshape(NS, NCH1, CHUNK)
    zeros = jnp.zeros((N_PAD, D), jnp.float32)
    partials = _sc_aggregate(x, row0, col0, row1, col1, zeros)
    return _tc_mlp_bn(x, partials, W1, b1, W2, b2, gamma, beta)

# --- scband reference (transcript-rebuilt; emitter-appended) ---
"""Pipeline reference for scband-ginconv-20469814133017 (READ-ONLY COPY).

The authoritative reference and input builder live on the scoring server;
editing this copy changes nothing except your own understanding.
"""

import jax, jax.numpy as jnp
import numpy as np

N = 10000
E = 320000
D_IN = 128
D_OUT = 128

def setup_inputs(seed: int = 0) -> dict:
    key = jax.random.key(seed)
    k_x, k_e, k_w1, k_b1, k_w2, k_b2 = jax.random.split(key, 6)
    x = jax.random.normal(k_x, (N, D_IN), dtype=jnp.float32)
    edge_index = jax.random.randint(k_e, (2, E), 0, N, dtype=jnp.int64)
    lim1 = 1.0 / np.sqrt(D_IN)
    W1 = jax.random.uniform(k_w1, (D_OUT, D_IN), dtype=jnp.float32, minval=-lim1, maxval=lim1)
    b1 = jax.random.uniform(k_b1, (D_OUT,), dtype=jnp.float32, minval=-lim1, maxval=lim1)
    lim2 = 1.0 / np.sqrt(D_OUT)
    W2 = jax.random.uniform(k_w2, (D_OUT, D_OUT), dtype=jnp.float32, minval=-lim2, maxval=lim2)
    b2 = jax.random.uniform(k_b2, (D_OUT,), dtype=jnp.float32, minval=-lim2, maxval=lim2)
    gamma = jnp.ones((D_OUT,), dtype=jnp.float32)
    beta = jnp.zeros((D_OUT,), dtype=jnp.float32)
    return {"x": x, "edge_index": edge_index, "W1": W1, "b1": b1, "W2": W2, "b2": b2, "gamma": gamma, "beta": beta}

def reference(x, edge_index, W1, b1, W2, b2, gamma, beta):
    row = edge_index[0]
    col = edge_index[1]
    # scatter-add aggregation: agg[row] += x[col]
    agg = jnp.zeros_like(x).at[row].add(x[col])
    h = x + agg
    # Linear -> ReLU -> Linear -> BatchNorm1d (training-mode batch stats)
    h = h @ W1.T + b1
    h = jax.nn.relu(h)
    h = h @ W2.T + b2
    mean = jnp.mean(h, axis=0)
    var = jnp.var(h, axis=0)
    out = (h - mean) / jnp.sqrt(var + 1e-5) * gamma + beta
    return out

if __name__ == "__main__":
    import jax
    _d = setup_inputs()
    print(jax.jit(kernel)(*tuple(_d.values())))

</pallas_src>

<mosaic_0001>
#map = affine_map<(d0, d1) -> (0, 0)>
#map1 = affine_map<(d0, d1) -> (0, 0, 0, 0)>
#map2 = affine_map<(d0, d1) -> (0, 0, 0)>
module attributes {stable_mosaic.version = 14 : i64} {
  func.func @_sc_body(%arg0: i32, %arg1: i32, %arg2: memref<10000x128xf32, #tpu.memory_space<hbm>>, %arg3: memref<16x6x16x128xi32, #tpu.memory_space<hbm>>, %arg4: memref<16x92x128xi32, #tpu.memory_space<hbm>>, %arg5: memref<16x5x16x128xi32, #tpu.memory_space<hbm>>, %arg6: memref<16x65x128xi32, #tpu.memory_space<hbm>>, %arg7: memref<10112x128xf32, #tpu.memory_space<hbm>>, %arg8: memref<2x10112x128xf32, #tpu.memory_space<hbm>>, %arg9: memref<16x128xi32, #tpu.memory_space<vmem>>, %arg10: memref<92x128xi32, #tpu.memory_space<vmem>>, %arg11: memref<128x128xf32, #tpu.memory_space<vmem>>, %arg12: memref<!tpu.dma_semaphore, #tpu.memory_space<semaphore_mem>>, %arg13: memref<10112x128xf32, #tpu.memory_space<vmem_shared>>) attributes {dimension_semantics = [#tpu.dimension_semantics<core_parallel>, #tpu.dimension_semantics<subcore_parallel>], iteration_bounds = array<i64: 2, 16>, scalar_prefetch = 0 : i64, scratch_operands = 5 : i64, tpu.core_type = #tpu.core_type<sc_vector_subcore>, window_params = [{transform_indices = #map}, {transform_indices = #map1}, {transform_indices = #map2}, {transform_indices = #map1}, {transform_indices = #map2}, {transform_indices = #map}, {transform_indices = #map2}]} {
    %mul3A = arith.constant 632 : i32
    %mul3A_0 = arith.muli %arg1, %mul3A : i32
    %mul3A_1 = arith.constant 632 : i32
    %mul3A_2 = arith.muli %arg1, %mul3A_1 : i32
    "tpu.region"() ({
      %run_scoped3A = tpu.sem_alloc : memref<!tpu.dma_semaphore, #tpu.memory_space<semaphore_mem>>
      %dma_start3A = arith.constant 0 : i32
      %dma_start3A_15 = tpu.memref_slice %arg13[%mul3A_2, %dma_start3A] : memref<10112x128xf32, #tpu.memory_space<vmem_shared>> -> memref<632x128xf32, #tpu.memory_space<vmem_shared>>
      %dma_start3A_16 = arith.constant 0 : i32
      %dma_start3A_17 = tpu.memref_slice %arg7[%mul3A_0, %dma_start3A_16] : memref<10112x128xf32, #tpu.memory_space<hbm>> -> memref<632x128xf32, #tpu.memory_space<hbm>>
      tpu.enqueue_dma source(%dma_start3A_17 : memref<632x128xf32, #tpu.memory_space<hbm>>) target(%dma_start3A_15 : memref<632x128xf32, #tpu.memory_space<vmem_shared>>) target_semaphore(%run_scoped3A : memref<!tpu.dma_semaphore, #tpu.memory_space<semaphore_mem>>)
      %dma_wait3A = arith.constant 0 : i32
      %dma_wait3A_18 = tpu.memref_slice %arg13[%mul3A_2, %dma_wait3A] : memref<10112x128xf32, #tpu.memory_space<vmem_shared>> -> memref<632x128xf32, #tpu.memory_space<vmem_shared>>
      %dma_wait3A_19 = arith.constant 0 : i32
      %dma_wait3A_20 = tpu.memref_slice %arg7[%mul3A_0, %dma_wait3A_19] : memref<10112x128xf32, #tpu.memory_space<hbm>> -> memref<632x128xf32, #tpu.memory_space<hbm>>
      tpu.wait_dma2 semaphore(%run_scoped3A : memref<!tpu.dma_semaphore, #tpu.memory_space<semaphore_mem>>) src(%dma_wait3A_20 : memref<632x128xf32, #tpu.memory_space<hbm>>) dst(%dma_wait3A_18 : memref<632x128xf32, #tpu.memory_space<vmem_shared>>)
      tpu.yield
    }) : () -> ()
    %barrier3A = arith.constant 0 : index
    tpu.barrier barrier_id(%barrier3A)
    %eq3A = arith.constant 0 : i32
    %eq3A_3 = arith.cmpi eq, %arg0, %eq3A : i32
    %convert_element_type3A = arith.extui %eq3A_3 : i1 to i32
    %cond3A = arith.constant 0 : i32
    %cond3A_4 = arith.cmpi ne, %convert_element_type3A, %cond3A : i32
    scf.if %cond3A_4 {
      "tpu.region"() ({
        %run_scoped3A = tpu.sem_alloc : memref<!tpu.dma_semaphore, #tpu.memory_space<semaphore_mem>>
        %dma_start3A = arith.constant 0 : i32
        %dma_start3A_20 = arith.constant 0 : i32
        %dma_start3A_21 = tpu.memref_slice %arg10[%dma_start3A, %dma_start3A_20] : memref<92x128xi32, #tpu.memory_space<vmem>> -> memref<92x128xi32, #tpu.memory_space<vmem>>
        %dma_start3A_22 = arith.constant 0 : i32
        %dma_start3A_23 = arith.constant 0 : i32
        %dma_start3A_24 = tpu.memref_slice %arg4[%arg1, %dma_start3A_22, %dma_start3A_23] : memref<16x92x128xi32, #tpu.memory_space<hbm>> -> memref<1x92x128xi32, #tpu.memory_space<hbm>>
        %dma_start3A_25 = tpu.memref_squeeze %dma_start3A_24 : memref<1x92x128xi32, #tpu.memory_space<hbm>> -> memref<92x128xi32, #tpu.memory_space<hbm>>
        %dma_start3A_26 = arith.constant 0 : i32
        %dma_start3A_27 = arith.constant 0 : i32
        %dma_start3A_28 = tpu.memref_slice %arg10[%dma_start3A_26, %dma_start3A_27] : memref<92x128xi32, #tpu.memory_space<vmem>> -> memref<92x128xi32, #tpu.memory_space<vmem>>
        %dma_start3A_29 = arith.constant 0 : i32
        %dma_start3A_30 = arith.constant 0 : i32
        %dma_start3A_31 = tpu.memref_slice %arg4[%arg1, %dma_start3A_29, %dma_start3A_30] : memref<16x92x128xi32, #tpu.memory_space<hbm>> -> memref<1x92x128xi32, #tpu.memory_space<hbm>>
        %dma_start3A_32 = tpu.memref_squeeze %dma_start3A_31 : memref<1x92x128xi32, #tpu.memory_space<hbm>> -> memref<92x128xi32, #tpu.memory_space<hbm>>
        tpu.enqueue_dma source(%dma_start3A_32 : memref<92x128xi32, #tpu.memory_space<hbm>>) target(%dma_start3A_28 : memref<92x128xi32, #tpu.memory_space<vmem>>) target_semaphore(%run_scoped3A : memref<!tpu.dma_semaphore, #tpu.memory_space<semaphore_mem>>)
        %dma_wait3A = arith.constant 0 : i32
        %dma_wait3A_33 = arith.constant 0 : i32
        %dma_wait3A_34 = tpu.memref_slice %arg10[%dma_wait3A, %dma_wait3A_33] : memref<92x128xi32, #tpu.memory_space<vmem>> -> memref<92x128xi32, #tpu.memory_space<vmem>>
        %dma_wait3A_35 = arith.constant 0 : i32
        %dma_wait3A_36 = arith.constant 0 : i32
        %dma_wait3A_37 = tpu.memref_slice %arg4[%arg1, %dma_wait3A_35, %dma_wait3A_36] : memref<16x92x128xi32, #tpu.memory_space<hbm>> -> memref<1x92x128xi32, #tpu.memory_space<hbm>>
        %dma_wait3A_38 = tpu.memref_squeeze %dma_wait3A_37 : memref<1x92x128xi32, #tpu.memory_space<hbm>> -> memref<92x128xi32, #tpu.memory_space<hbm>>
        %dma_wait3A_39 = arith.constant 0 : i32
        %dma_wait3A_40 = arith.constant 0 : i32
        %dma_wait3A_41 = tpu.memref_slice %arg10[%dma_wait3A_39, %dma_wait3A_40] : memref<92x128xi32, #tpu.memory_space<vmem>> -> memref<92x128xi32, #tpu.memory_space<vmem>>
        %dma_wait3A_42 = arith.constant 0 : i32
        %dma_wait3A_43 = arith.constant 0 : i32
        %dma_wait3A_44 = tpu.memref_slice %arg4[%arg1, %dma_wait3A_42, %dma_wait3A_43] : memref<16x92x128xi32, #tpu.memory_space<hbm>> -> memref<1x92x128xi32, #tpu.memory_space<hbm>>
        %dma_wait3A_45 = tpu.memref_squeeze %dma_wait3A_44 : memref<1x92x128xi32, #tpu.memory_space<hbm>> -> memref<92x128xi32, #tpu.memory_space<hbm>>
        tpu.wait_dma2 semaphore(%run_scoped3A : memref<!tpu.dma_semaphore, #tpu.memory_space<semaphore_mem>>) src(%dma_wait3A_45 : memref<92x128xi32, #tpu.memory_space<hbm>>) dst(%dma_wait3A_41 : memref<92x128xi32, #tpu.memory_space<vmem>>)
        tpu.yield
      }) : () -> ()
      %scan3A = arith.constant 0 : i32
      %scan3A_15 = arith.constant 0 : i32
      %scan3A_16 = arith.constant 6 : i32
      %scan3A_17 = arith.addi %scan3A_15, %scan3A_16 : i32
      %scan3A_18 = arith.constant 1 : i32
      scf.for %scan3A_20 = %scan3A_15 to %scan3A_17 step %scan3A_18  : i32 {
        "tpu.region"() ({
          %run_scoped3A = tpu.sem_alloc : memref<!tpu.dma_semaphore, #tpu.memory_space<semaphore_mem>>
          %dma_start3A = arith.constant 0 : i32
          %dma_start3A_33 = arith.constant 0 : i32
          %dma_start3A_34 = tpu.memref_slice %arg3[%arg1, %scan3A_20, %dma_start3A, %dma_start3A_33] : memref<16x6x16x128xi32, #tpu.memory_space<hbm>> -> memref<1x1x16x128xi32, #tpu.memory_space<hbm>>
          %dma_start3A_35 = tpu.memref_squeeze %dma_start3A_34 : memref<1x1x16x128xi32, #tpu.memory_space<hbm>> -> memref<16x128xi32, #tpu.memory_space<hbm>>
          %dma_start3A_36 = arith.constant 0 : i32
          %dma_start3A_37 = arith.constant 0 : i32
          %dma_start3A_38 = tpu.memref_slice %arg3[%arg1, %scan3A_20, %dma_start3A_36, %dma_start3A_37] : memref<16x6x16x128xi32, #tpu.memory_space<hbm>> -> memref<1x1x16x128xi32, #tpu.memory_space<hbm>>
          %dma_start3A_39 = tpu.memref_squeeze %dma_start3A_38 : memref<1x1x16x128xi32, #tpu.memory_space<hbm>> -> memref<16x128xi32, #tpu.memory_space<hbm>>
          tpu.enqueue_dma source(%dma_start3A_39 : memref<16x128xi32, #tpu.memory_space<hbm>>) target(%arg9 : memref<16x128xi32, #tpu.memory_space<vmem>>) target_semaphore(%run_scoped3A : memref<!tpu.dma_semaphore, #tpu.memory_space<semaphore_mem>>)
          %dma_wait3A = arith.constant 0 : i32
          %dma_wait3A_40 = arith.constant 0 : i32
          %dma_wait3A_41 = tpu.memref_slice %arg3[%arg1, %scan3A_20, %dma_wait3A, %dma_wait3A_40] : memref<16x6x16x128xi32, #tpu.memory_space<hbm>> -> memref<1x1x16x128xi32, #tpu.memory_space<hbm>>
          %dma_wait3A_42 = tpu.memref_squeeze %dma_wait3A_41 : memref<1x1x16x128xi32, #tpu.memory_space<hbm>> -> memref<16x128xi32, #tpu.memory_space<hbm>>
          %dma_wait3A_43 = arith.constant 0 : i32
          %dma_wait3A_44 = arith.constant 0 : i32
          %dma_wait3A_45 = tpu.memref_slice %arg3[%arg1, %scan3A_20, %dma_wait3A_43, %dma_wait3A_44] : memref<16x6x16x128xi32, #tpu.memory_space<hbm>> -> memref<1x1x16x128xi32, #tpu.memory_space<hbm>>
          %dma_wait3A_46 = tpu.memref_squeeze %dma_wait3A_45 : memref<1x1x16x128xi32, #tpu.memory_space<hbm>> -> memref<16x128xi32, #tpu.memory_space<hbm>>
          tpu.wait_dma2 semaphore(%run_scoped3A : memref<!tpu.dma_semaphore, #tpu.memory_space<semaphore_mem>>) src(%dma_wait3A_46 : memref<16x128xi32, #tpu.memory_space<hbm>>) dst(%arg9 : memref<16x128xi32, #tpu.memory_space<vmem>>)
          tpu.yield
        }) : () -> ()
        %mul3A_21 = arith.constant 16 : i32
        %mul3A_22 = arith.muli %scan3A_20, %mul3A_21 : i32
        %sub3A = arith.constant 92 : i32
        %sub3A_23 = arith.subi %sub3A, %mul3A_22 : i32
        %min3A = arith.constant 16 : i32
        %min3A_24 = arith.minsi %min3A, %sub3A_23 : i32
        %while3A = arith.constant 0 : i32
        %while3A_25 = arith.subi %min3A_24, %while3A : i32
        %while3A_26 = arith.addi %while3A, %while3A_25 : i32
        %while3A_27 = arith.constant 1 : i32
        %while3A_28 = arith.divsi %while3A_25, %while3A_27 : i32
        %while3A_29 = arith.muli %while3A_28, %while3A_27 : i32
        %while3A_30 = arith.addi %while3A, %while3A_29 : i32
        %while3A_31 = arith.constant 1 : i32
        scf.for %while3A_33 = %while3A to %while3A_30 step %while3A_31  : i32 {
          %mul3A_34 = arith.constant 16 : i32
          %mul3A_35 = arith.muli %scan3A_20, %mul3A_34 : i32
          %add3A = arith.addi %mul3A_35, %while3A_33 : i32
          "tpu.region"() ({
            %run_scoped3A = tpu.sem_alloc : memref<!tpu.dma_semaphore, #tpu.memory_space<semaphore_mem>>
            %dma_start3A = arith.constant 0 : i32
            %dma_start3A_36 = tpu.memref_slice %arg9[%while3A_33, %dma_start3A] : memref<16x128xi32, #tpu.memory_space<vmem>> -> memref<1x128xi32, #tpu.memory_space<vmem>>
            %dma_start3A_37 = tpu.memref_squeeze %dma_start3A_36 : memref<1x128xi32, #tpu.memory_space<vmem>> -> memref<128xi32, #tpu.memory_space<vmem>>
            %dma_start3A_38 = arith.constant 0 : i32
            %dma_start3A_39 = arith.constant 0 : i32
            %dma_start3A_40 = tpu.memref_slice %arg13[%dma_start3A_38, %dma_start3A_39] : memref<10112x128xf32, #tpu.memory_space<vmem_shared>> -> memref<10112x128xf32, #tpu.memory_space<vmem_shared>>
            tpu.enqueue_indirect_dma source(%arg11 : memref<128x128xf32, #tpu.memory_space<vmem>>) target(%dma_start3A_40 : memref<10112x128xf32, #tpu.memory_space<vmem_shared>>) offsets(%dma_start3A_37 : memref<128xi32, #tpu.memory_space<vmem>>) semaphore(%run_scoped3A : memref<!tpu.dma_semaphore, #tpu.memory_space<semaphore_mem>>) {add = true}
            %dma_wait3A = arith.constant 0 : i32
            %dma_wait3A_41 = tpu.memref_slice %arg9[%while3A_33, %dma_wait3A] : memref<16x128xi32, #tpu.memory_space<vmem>> -> memref<1x128xi32, #tpu.memory_space<vmem>>
            %dma_wait3A_42 = tpu.memref_squeeze %dma_wait3A_41 : memref<1x128xi32, #tpu.memory_space<vmem>> -> memref<128xi32, #tpu.memory_space<vmem>>
            %dma_wait3A_43 = arith.constant 0 : i32
            %dma_wait3A_44 = arith.constant 0 : i32
            %dma_wait3A_45 = tpu.memref_slice %arg13[%dma_wait3A_43, %dma_wait3A_44] : memref<10112x128xf32, #tpu.memory_space<vmem_shared>> -> memref<10112x128xf32, #tpu.memory_space<vmem_shared>>
            tpu.wait_indirect_dma semaphore(%run_scoped3A : memref<!tpu.dma_semaphore, #tpu.memory_space<semaphore_mem>>) src(%arg11 : memref<128x128xf32, #tpu.memory_space<vmem>>) dst(%dma_wait3A_45 : memref<10112x128xf32, #tpu.memory_space<vmem_shared>>)
            tpu.yield
          }) : () -> ()
        }
        %while3A_32 = arith.constant 1 : i32
        scf.for %while3A_33 = %while3A_30 to %while3A_26 step %while3A_32  : i32 {
          %mul3A_34 = arith.constant 16 : i32
          %mul3A_35 = arith.muli %scan3A_20, %mul3A_34 : i32
          %add3A = arith.addi %mul3A_35, %while3A_33 : i32
          "tpu.region"() ({
            %run_scoped3A = tpu.sem_alloc : memref<!tpu.dma_semaphore, #tpu.memory_space<semaphore_mem>>
            %dma_start3A = arith.constant 0 : i32
            %dma_start3A_36 = tpu.memref_slice %arg9[%while3A_33, %dma_start3A] : memref<16x128xi32, #tpu.memory_space<vmem>> -> memref<1x128xi32, #tpu.memory_space<vmem>>
            %dma_start3A_37 = tpu.memref_squeeze %dma_start3A_36 : memref<1x128xi32, #tpu.memory_space<vmem>> -> memref<128xi32, #tpu.memory_space<vmem>>
            %dma_start3A_38 = arith.constant 0 : i32
            %dma_start3A_39 = arith.constant 0 : i32
            %dma_start3A_40 = tpu.memref_slice %arg13[%dma_start3A_38, %dma_start3A_39] : memref<10112x128xf32, #tpu.memory_space<vmem_shared>> -> memref<10112x128xf32, #tpu.memory_space<vmem_shared>>
            tpu.enqueue_indirect_dma source(%arg11 : memref<128x128xf32, #tpu.memory_space<vmem>>) target(%dma_start3A_40 : memref<10112x128xf32, #tpu.memory_space<vmem_shared>>) offsets(%dma_start3A_37 : memref<128xi32, #tpu.memory_space<vmem>>) semaphore(%run_scoped3A : memref<!tpu.dma_semaphore, #tpu.memory_space<semaphore_mem>>) {add = true}
            %dma_wait3A = arith.constant 0 : i32
            %dma_wait3A_41 = tpu.memref_slice %arg9[%while3A_33, %dma_wait3A] : memref<16x128xi32, #tpu.memory_space<vmem>> -> memref<1x128xi32, #tpu.memory_space<vmem>>
            %dma_wait3A_42 = tpu.memref_squeeze %dma_wait3A_41 : memref<1x128xi32, #tpu.memory_space<vmem>> -> memref<128xi32, #tpu.memory_space<vmem>>
            %dma_wait3A_43 = arith.constant 0 : i32
            %dma_wait3A_44 = arith.constant 0 : i32
            %dma_wait3A_45 = tpu.memref_slice %arg13[%dma_wait3A_43, %dma_wait3A_44] : memref<10112x128xf32, #tpu.memory_space<vmem_shared>> -> memref<10112x128xf32, #tpu.memory_space<vmem_shared>>
            tpu.wait_indirect_dma semaphore(%run_scoped3A : memref<!tpu.dma_semaphore, #tpu.memory_space<semaphore_mem>>) src(%arg11 : memref<128x128xf32, #tpu.memory_space<vmem>>) dst(%dma_wait3A_45 : memref<10112x128xf32, #tpu.memory_space<vmem_shared>>)
            tpu.yield
          }) : () -> ()
        }
      }
      %scan3A_19 = arith.constant 6 : i32
    } else {
    }
    %eq3A_5 = arith.constant 1 : i32
    %eq3A_6 = arith.cmpi eq, %arg0, %eq3A_5 : i32
    %convert_element_type3A_7 = arith.extui %eq3A_6 : i1 to i32
    %cond3A_8 = arith.constant 0 : i32
    %cond3A_9 = arith.cmpi ne, %convert_element_type3A_7, %cond3A_8 : i32
    scf.if %cond3A_9 {
      "tpu.region"() ({
        %run_scoped3A = tpu.sem_alloc : memref<!tpu.dma_semaphore, #tpu.memory_space<semaphore_mem>>
        %dma_start3A = arith.constant 0 : i32
        %dma_start3A_20 = arith.constant 0 : i32
        %dma_start3A_21 = tpu.memref_slice %arg10[%dma_start3A, %dma_start3A_20] : memref<92x128xi32, #tpu.memory_space<vmem>> -> memref<65x128xi32, #tpu.memory_space<vmem>>
        %dma_start3A_22 = arith.constant 0 : i32
        %dma_start3A_23 = arith.constant 0 : i32
        %dma_start3A_24 = tpu.memref_slice %arg6[%arg1, %dma_start3A_22, %dma_start3A_23] : memref<16x65x128xi32, #tpu.memory_space<hbm>> -> memref<1x65x128xi32, #tpu.memory_space<hbm>>
        %dma_start3A_25 = tpu.memref_squeeze %dma_start3A_24 : memref<1x65x128xi32, #tpu.memory_space<hbm>> -> memref<65x128xi32, #tpu.memory_space<hbm>>
        %dma_start3A_26 = arith.constant 0 : i32
        %dma_start3A_27 = arith.constant 0 : i32
        %dma_start3A_28 = tpu.memref_slice %arg10[%dma_start3A_26, %dma_start3A_27] : memref<92x128xi32, #tpu.memory_space<vmem>> -> memref<65x128xi32, #tpu.memory_space<vmem>>
        %dma_start3A_29 = arith.constant 0 : i32
        %dma_start3A_30 = arith.constant 0 : i32
        %dma_start3A_31 = tpu.memref_slice %arg6[%arg1, %dma_start3A_29, %dma_start3A_30] : memref<16x65x128xi32, #tpu.memory_space<hbm>> -> memref<1x65x128xi32, #tpu.memory_space<hbm>>
        %dma_start3A_32 = tpu.memref_squeeze %dma_start3A_31 : memref<1x65x128xi32, #tpu.memory_space<hbm>> -> memref<65x128xi32, #tpu.memory_space<hbm>>
        tpu.enqueue_dma source(%dma_start3A_32 : memref<65x128xi32, #tpu.memory_space<hbm>>) target(%dma_start3A_28 : memref<65x128xi32, #tpu.memory_space<vmem>>) target_semaphore(%run_scoped3A : memref<!tpu.dma_semaphore, #tpu.memory_space<semaphore_mem>>)
        %dma_wait3A = arith.constant 0 : i32
        %dma_wait3A_33 = arith.constant 0 : i32
        %dma_wait3A_34 = tpu.memref_slice %arg10[%dma_wait3A, %dma_wait3A_33] : memref<92x128xi32, #tpu.memory_space<vmem>> -> memref<65x128xi32, #tpu.memory_space<vmem>>
        %dma_wait3A_35 = arith.constant 0 : i32
        %dma_wait3A_36 = arith.constant 0 : i32
        %dma_wait3A_37 = tpu.memref_slice %arg6[%arg1, %dma_wait3A_35, %dma_wait3A_36] : memref<16x65x128xi32, #tpu.memory_space<hbm>> -> memref<1x65x128xi32, #tpu.memory_space<hbm>>
        %dma_wait3A_38 = tpu.memref_squeeze %dma_wait3A_37 : memref<1x65x128xi32, #tpu.memory_space<hbm>> -> memref<65x128xi32, #tpu.memory_space<hbm>>
        %dma_wait3A_39 = arith.constant 0 : i32
        %dma_wait3A_40 = arith.constant 0 : i32
        %dma_wait3A_41 = tpu.memref_slice %arg10[%dma_wait3A_39, %dma_wait3A_40] : memref<92x128xi32, #tpu.memory_space<vmem>> -> memref<65x128xi32, #tpu.memory_space<vmem>>
        %dma_wait3A_42 = arith.constant 0 : i32
        %dma_wait3A_43 = arith.constant 0 : i32
        %dma_wait3A_44 = tpu.memref_slice %arg6[%arg1, %dma_wait3A_42, %dma_wait3A_43] : memref<16x65x128xi32, #tpu.memory_space<hbm>> -> memref<1x65x128xi32, #tpu.memory_space<hbm>>
        %dma_wait3A_45 = tpu.memref_squeeze %dma_wait3A_44 : memref<1x65x128xi32, #tpu.memory_space<hbm>> -> memref<65x128xi32, #tpu.memory_space<hbm>>
        tpu.wait_dma2 semaphore(%run_scoped3A : memref<!tpu.dma_semaphore, #tpu.memory_space<semaphore_mem>>) src(%dma_wait3A_45 : memref<65x128xi32, #tpu.memory_space<hbm>>) dst(%dma_wait3A_41 : memref<65x128xi32, #tpu.memory_space<vmem>>)
        tpu.yield
      }) : () -> ()
      %scan3A = arith.constant 0 : i32
      %scan3A_15 = arith.constant 0 : i32
      %scan3A_16 = arith.constant 5 : i32
      %scan3A_17 = arith.addi %scan3A_15, %scan3A_16 : i32
      %scan3A_18 = arith.constant 1 : i32
      scf.for %scan3A_20 = %scan3A_15 to %scan3A_17 step %scan3A_18  : i32 {
        "tpu.region"() ({
          %run_scoped3A = tpu.sem_alloc : memref<!tpu.dma_semaphore, #tpu.memory_space<semaphore_mem>>
          %dma_start3A = arith.constant 0 : i32
          %dma_start3A_33 = arith.constant 0 : i32
          %dma_start3A_34 = tpu.memref_slice %arg5[%arg1, %scan3A_20, %dma_start3A, %dma_start3A_33] : memref<16x5x16x128xi32, #tpu.memory_space<hbm>> -> memref<1x1x16x128xi32, #tpu.memory_space<hbm>>
          %dma_start3A_35 = tpu.memref_squeeze %dma_start3A_34 : memref<1x1x16x128xi32, #tpu.memory_space<hbm>> -> memref<16x128xi32, #tpu.memory_space<hbm>>
          %dma_start3A_36 = arith.constant 0 : i32
          %dma_start3A_37 = arith.constant 0 : i32
          %dma_start3A_38 = tpu.memref_slice %arg5[%arg1, %scan3A_20, %dma_start3A_36, %dma_start3A_37] : memref<16x5x16x128xi32, #tpu.memory_space<hbm>> -> memref<1x1x16x128xi32, #tpu.memory_space<hbm>>
          %dma_start3A_39 = tpu.memref_squeeze %dma_start3A_38 : memref<1x1x16x128xi32, #tpu.memory_space<hbm>> -> memref<16x128xi32, #tpu.memory_space<hbm>>
          tpu.enqueue_dma source(%dma_start3A_39 : memref<16x128xi32, #tpu.memory_space<hbm>>) target(%arg9 : memref<16x128xi32, #tpu.memory_space<vmem>>) target_semaphore(%run_scoped3A : memref<!tpu.dma_semaphore, #tpu.memory_space<semaphore_mem>>)
          %dma_wait3A = arith.constant 0 : i32
          %dma_wait3A_40 = arith.constant 0 : i32
          %dma_wait3A_41 = tpu.memref_slice %arg5[%arg1, %scan3A_20, %dma_wait3A, %dma_wait3A_40] : memref<16x5x16x128xi32, #tpu.memory_space<hbm>> -> memref<1x1x16x128xi32, #tpu.memory_space<hbm>>
          %dma_wait3A_42 = tpu.memref_squeeze %dma_wait3A_41 : memref<1x1x16x128xi32, #tpu.memory_space<hbm>> -> memref<16x128xi32, #tpu.memory_space<hbm>>
          %dma_wait3A_43 = arith.constant 0 : i32
          %dma_wait3A_44 = arith.constant 0 : i32
          %dma_wait3A_45 = tpu.memref_slice %arg5[%arg1, %scan3A_20, %dma_wait3A_43, %dma_wait3A_44] : memref<16x5x16x128xi32, #tpu.memory_space<hbm>> -> memref<1x1x16x128xi32, #tpu.memory_space<hbm>>
          %dma_wait3A_46 = tpu.memref_squeeze %dma_wait3A_45 : memref<1x1x16x128xi32, #tpu.memory_space<hbm>> -> memref<16x128xi32, #tpu.memory_space<hbm>>
          tpu.wait_dma2 semaphore(%run_scoped3A : memref<!tpu.dma_semaphore, #tpu.memory_space<semaphore_mem>>) src(%dma_wait3A_46 : memref<16x128xi32, #tpu.memory_space<hbm>>) dst(%arg9 : memref<16x128xi32, #tpu.memory_space<vmem>>)
          tpu.yield
        }) : () -> ()
        %mul3A_21 = arith.constant 16 : i32
        %mul3A_22 = arith.muli %scan3A_20, %mul3A_21 : i32
        %sub3A = arith.constant 65 : i32
        %sub3A_23 = arith.subi %sub3A, %mul3A_22 : i32
        %min3A = arith.constant 16 : i32
        %min3A_24 = arith.minsi %min3A, %sub3A_23 : i32
        %while3A = arith.constant 0 : i32
        %while3A_25 = arith.subi %min3A_24, %while3A : i32
        %while3A_26 = arith.addi %while3A, %while3A_25 : i32
        %while3A_27 = arith.constant 1 : i32
        %while3A_28 = arith.divsi %while3A_25, %while3A_27 : i32
        %while3A_29 = arith.muli %while3A_28, %while3A_27 : i32
        %while3A_30 = arith.addi %while3A, %while3A_29 : i32
        %while3A_31 = arith.constant 1 : i32
        scf.for %while3A_33 = %while3A to %while3A_30 step %while3A_31  : i32 {
          %mul3A_34 = arith.constant 16 : i32
          %mul3A_35 = arith.muli %scan3A_20, %mul3A_34 : i32
          %add3A = arith.addi %mul3A_35, %while3A_33 : i32
          "tpu.region"() ({
            %run_scoped3A = tpu.sem_alloc : memref<!tpu.dma_semaphore, #tpu.memory_space<semaphore_mem>>
            %dma_start3A = arith.constant 0 : i32
            %dma_start3A_36 = tpu.memref_slice %arg9[%while3A_33, %dma_start3A] : memref<16x128xi32, #tpu.memory_space<vmem>> -> memref<1x128xi32, #tpu.memory_space<vmem>>
            %dma_start3A_37 = tpu.memref_squeeze %dma_start3A_36 : memref<1x128xi32, #tpu.memory_space<vmem>> -> memref<128xi32, #tpu.memory_space<vmem>>
            %dma_start3A_38 = arith.constant 0 : i32
            %dma_start3A_39 = arith.constant 0 : i32
            %dma_start3A_40 = tpu.memref_slice %arg13[%dma_start3A_38, %dma_start3A_39] : memref<10112x128xf32, #tpu.memory_space<vmem_shared>> -> memref<10112x128xf32, #tpu.memory_space<vmem_shared>>
            tpu.enqueue_indirect_dma source(%arg11 : memref<128x128xf32, #tpu.memory_space<vmem>>) target(%dma_start3A_40 : memref<10112x128xf32, #tpu.memory_space<vmem_shared>>) offsets(%dma_start3A_37 : memref<128xi32, #tpu.memory_space<vmem>>) semaphore(%run_scoped3A : memref<!tpu.dma_semaphore, #tpu.memory_space<semaphore_mem>>) {add = true}
            %dma_wait3A = arith.constant 0 : i32
            %dma_wait3A_41 = tpu.memref_slice %arg9[%while3A_33, %dma_wait3A] : memref<16x128xi32, #tpu.memory_space<vmem>> -> memref<1x128xi32, #tpu.memory_space<vmem>>
            %dma_wait3A_42 = tpu.memref_squeeze %dma_wait3A_41 : memref<1x128xi32, #tpu.memory_space<vmem>> -> memref<128xi32, #tpu.memory_space<vmem>>
            %dma_wait3A_43 = arith.constant 0 : i32
            %dma_wait3A_44 = arith.constant 0 : i32
            %dma_wait3A_45 = tpu.memref_slice %arg13[%dma_wait3A_43, %dma_wait3A_44] : memref<10112x128xf32, #tpu.memory_space<vmem_shared>> -> memref<10112x128xf32, #tpu.memory_space<vmem_shared>>
            tpu.wait_indirect_dma semaphore(%run_scoped3A : memref<!tpu.dma_semaphore, #tpu.memory_space<semaphore_mem>>) src(%arg11 : memref<128x128xf32, #tpu.memory_space<vmem>>) dst(%dma_wait3A_45 : memref<10112x128xf32, #tpu.memory_space<vmem_shared>>)
            tpu.yield
          }) : () -> ()
        }
        %while3A_32 = arith.constant 1 : i32
        scf.for %while3A_33 = %while3A_30 to %while3A_26 step %while3A_32  : i32 {
          %mul3A_34 = arith.constant 16 : i32
          %mul3A_35 = arith.muli %scan3A_20, %mul3A_34 : i32
          %add3A = arith.addi %mul3A_35, %while3A_33 : i32
          "tpu.region"() ({
            %run_scoped3A = tpu.sem_alloc : memref<!tpu.dma_semaphore, #tpu.memory_space<semaphore_mem>>
            %dma_start3A = arith.constant 0 : i32
            %dma_start3A_36 = tpu.memref_slice %arg9[%while3A_33, %dma_start3A] : memref<16x128xi32, #tpu.memory_space<vmem>> -> memref<1x128xi32, #tpu.memory_space<vmem>>
            %dma_start3A_37 = tpu.memref_squeeze %dma_start3A_36 : memref<1x128xi32, #tpu.memory_space<vmem>> -> memref<128xi32, #tpu.memory_space<vmem>>
            %dma_start3A_38 = arith.constant 0 : i32
            %dma_start3A_39 = arith.constant 0 : i32
            %dma_start3A_40 = tpu.memref_slice %arg13[%dma_start3A_38, %dma_start3A_39] : memref<10112x128xf32, #tpu.memory_space<vmem_shared>> -> memref<10112x128xf32, #tpu.memory_space<vmem_shared>>
            tpu.enqueue_indirect_dma source(%arg11 : memref<128x128xf32, #tpu.memory_space<vmem>>) target(%dma_start3A_40 : memref<10112x128xf32, #tpu.memory_space<vmem_shared>>) offsets(%dma_start3A_37 : memref<128xi32, #tpu.memory_space<vmem>>) semaphore(%run_scoped3A : memref<!tpu.dma_semaphore, #tpu.memory_space<semaphore_mem>>) {add = true}
            %dma_wait3A = arith.constant 0 : i32
            %dma_wait3A_41 = tpu.memref_slice %arg9[%while3A_33, %dma_wait3A] : memref<16x128xi32, #tpu.memory_space<vmem>> -> memref<1x128xi32, #tpu.memory_space<vmem>>
            %dma_wait3A_42 = tpu.memref_squeeze %dma_wait3A_41 : memref<1x128xi32, #tpu.memory_space<vmem>> -> memref<128xi32, #tpu.memory_space<vmem>>
            %dma_wait3A_43 = arith.constant 0 : i32
            %dma_wait3A_44 = arith.constant 0 : i32
            %dma_wait3A_45 = tpu.memref_slice %arg13[%dma_wait3A_43, %dma_wait3A_44] : memref<10112x128xf32, #tpu.memory_space<vmem_shared>> -> memref<10112x128xf32, #tpu.memory_space<vmem_shared>>
            tpu.wait_indirect_dma semaphore(%run_scoped3A : memref<!tpu.dma_semaphore, #tpu.memory_space<semaphore_mem>>) src(%arg11 : memref<128x128xf32, #tpu.memory_space<vmem>>) dst(%dma_wait3A_45 : memref<10112x128xf32, #tpu.memory_space<vmem_shared>>)
            tpu.yield
          }) : () -> ()
        }
      }
      %scan3A_19 = arith.constant 5 : i32
    } else {
    }
    %barrier3A_10 = arith.constant 0 : index
    tpu.barrier barrier_id(%barrier3A_10)
    %mul3A_11 = arith.constant 632 : i32
    %mul3A_12 = arith.muli %arg1, %mul3A_11 : i32
    %mul3A_13 = arith.constant 632 : i32
    %mul3A_14 = arith.muli %arg1, %mul3A_13 : i32
    "tpu.region"() ({
      %run_scoped3A = tpu.sem_alloc : memref<!tpu.dma_semaphore, #tpu.memory_space<semaphore_mem>>
      %dma_start3A = arith.constant 0 : i32
      %dma_start3A_15 = tpu.memref_slice %arg8[%arg0, %mul3A_14, %dma_start3A] : memref<2x10112x128xf32, #tpu.memory_space<hbm>> -> memref<1x632x128xf32, #tpu.memory_space<hbm>>
      %dma_start3A_16 = tpu.memref_squeeze %dma_start3A_15 : memref<1x632x128xf32, #tpu.memory_space<hbm>> -> memref<632x128xf32, #tpu.memory_space<hbm>>
      %dma_start3A_17 = arith.constant 0 : i32
      %dma_start3A_18 = tpu.memref_slice %arg13[%mul3A_12, %dma_start3A_17] : memref<10112x128xf32, #tpu.memory_space<vmem_shared>> -> memref<632x128xf32, #tpu.memory_space<vmem_shared>>
      tpu.enqueue_dma source(%dma_start3A_18 : memref<632x128xf32, #tpu.memory_space<vmem_shared>>) target(%dma_start3A_16 : memref<632x128xf32, #tpu.memory_space<hbm>>) target_semaphore(%run_scoped3A : memref<!tpu.dma_semaphore, #tpu.memory_space<semaphore_mem>>)
      %dma_wait3A = arith.constant 0 : i32
      %dma_wait3A_19 = tpu.memref_slice %arg8[%arg0, %mul3A_14, %dma_wait3A] : memref<2x10112x128xf32, #tpu.memory_space<hbm>> -> memref<1x632x128xf32, #tpu.memory_space<hbm>>
      %dma_wait3A_20 = tpu.memref_squeeze %dma_wait3A_19 : memref<1x632x128xf32, #tpu.memory_space<hbm>> -> memref<632x128xf32, #tpu.memory_space<hbm>>
      %dma_wait3A_21 = arith.constant 0 : i32
      %dma_wait3A_22 = tpu.memref_slice %arg13[%mul3A_12, %dma_wait3A_21] : memref<10112x128xf32, #tpu.memory_space<vmem_shared>> -> memref<632x128xf32, #tpu.memory_space<vmem_shared>>
      tpu.wait_dma2 semaphore(%run_scoped3A : memref<!tpu.dma_semaphore, #tpu.memory_space<semaphore_mem>>) src(%dma_wait3A_22 : memref<632x128xf32, #tpu.memory_space<vmem_shared>>) dst(%dma_wait3A_20 : memref<632x128xf32, #tpu.memory_space<hbm>>)
      tpu.yield
    }) : () -> ()
    return
  }
}

</mosaic_0001>

<sc_bundles>
// kernel: _sc_aggregate.3.cloned.1.call-start
scs
__scs_entry_jumppad:
0x0: {  	(pc) =	sbr.rel $0x88, $3  }
0x1: {  	(tag) =	ssettag $0x0;
	lr =	simm.s32 $0x1  }
0x2: {  	[smem:$0x3F9B] =	sst lr;
	_ =	strace $0xD0000000  }
0x3: {  	_ = 	snop  }
0x4: {  	_ = 	snop  }
0x5: {  	_ = 	snop  }
0x6: {  	_ = 	snop  }
0x7: {  	_ = 	snop  }
__scs_overlays_trampoline_lowered:
0x8: {  	[smem:$0x3FAA] =	sst s0  }
0x9: {  	[smem:$0x3FAB] =	sst s1  }
0xa: {  	[smem:$0x3FAC] =	sst s2  }
0xb: {  	[smem:$0x3FAD] =	sst s3  }
0xc: {  	[smem:$0x3FAE] =	sst s4  }
0xd: {  	[smem:$0x3FAF] =	sst s5  }
0xe: {  	[smem:$0x3FB0] =	sst s6  }
0xf: {  	[smem:$0x3FB1] =	sst s7  }
0x10: {  	[smem:$0x3FB2] =	sst s8  }
0x11: {  	[smem:$0x3FB3] =	sst s9;
	s0 =	simm.s32 @!p0 $0x0  }
0x12: {  	s1 =	sld [smem:$0x3F99];
	s0 =	simm.s32 @p0 $0x1  }
0x13: {  	[smem:$0x3FB4] =	sst s0;
	s0 =	simm.s32 @!p1 $0x0  }
0x14: {  	s2 =	sld [smem:$0x3F98];
	s0 =	simm.s32 @p1 $0x1  }
0x15: {  	[smem:$0x3FB5] =	sst s0;
	s0 =	simm.s32 @!p2 $0x0  }
0x16: {  	s3 =	sld [smem:$0x3FDB];
	s0 =	simm.s32 @p2 $0x1  }
0x17: {  	s4 =	simm.s32 $0x1BF5;
	[smem:$0x3FB7] =	sst s0  }
0x18: {  	s0 =	sld [smem:$0x3F9A];
	_ =	swait.ge [sflag:s4], $0x0  }
0x19: {  	s7 =	sld [smem:$0x3F9B]  }
0x1a: {  	s8 =	sadd.s32 $0xFFFFE003, lr  }
0x1b: {  	s9 =	sadd.s32 $0xFFFFFEF7, lr;
	s5 =	simm.s32 $0xFFFFFFFF;
	p2 =	slt.u32 s8, $0xFFFFF086  }
0x1c: {  	p1 =	slt.u32 s9, $0xF7A;
	s5 =	simm.s32 @!p2 $0x0  }
0x1d: {  	s5 =	simm.s32 @p1 $0x1;
	p0 =	seq.s32 s7, s2  }
0x1e: {  	s7 =	smul.u32 @!p0 $0xF7A, s2;
	p2 =	seq.s32 @!p0 s5, $0x0  }
0x1f: {  	s9 =	smul.u32 $0xF7A, s1;
	s8 =	simm.s32 @!p0 $0x1BF5;
	p2 =	por !p2, p0  }
0x20: {  	[sflag:s8] =	ssyncset.s32 @!p0 $0xFFFFF086;
	s6 =	sadd.s32 @!p0 s3, s7;
	s7 =	simm.s32 @!p0 $0x108  }
0x21: {  	s3 =	sadd.s32 s3, s9;
	s6 =	sadd.s32 @!p0 $0x88, s6;
	s7 =	simm.s32 @p2 $0x1082  }
0x22: {  	[simem:s7], [sflag:s8] =	dma.local @!p0 [hbm:s6], $0xF7A  }
0x23: {  	s9 =	sor.u32 $0xD0000000, s2;
	s6 =	simm.s32 $0x108;
	_ =	swait.ge @!p0 [sflag:s8], $0x0  }
0x24: {  	s3 =	sadd.s32 $0x88, s3;
	s6 =	simm.s32 @!p1 $0x1082;
	[sflag:s4] =	ssyncset.s32 $0xFFFFF086  }
0x25: {  	[simem:s6], [sflag:s4] =	dma.local [hbm:s3], $0xF7A  }
0x26: {  	[smem:$0x3F9B] =	sst s1;
	(tag) =	ssettag s2;
	_ =	strace s9  }
0x27: {  	s1 =	sld [smem:$0x3FAB]  }
0x28: {  	s2 =	sld [smem:$0x3FAC]  }
0x29: {  	s4 =	sld [smem:$0x3FAE]  }
0x2a: {  	p0 =	seq.s32 s5, $0x0;
	s5 =	sld [smem:$0x3FAF]  }
0x2b: {  	s6 =	sld [smem:$0x3FB0]  }
0x2c: {  	s7 =	sld [smem:$0x3FB1]  }
0x2d: {  	s3 =	simm.s32 $0x108;
	s8 =	sld [smem:$0x3FB2]  }
0x2e: {  	s3 =	simm.s32 @!p0 $0x1082;
	s9 =	sld [smem:$0x3FB3]  }
0x2f: {  	lr =	sadd.s32 s0, s3;
	s0 =	sld [smem:$0x3FAA]  }
0x30: {  	s3 =	sld [smem:$0x3FAD]  }
0x31: {  	[smem:$0x3FB6] =	sst s10  }
0x32: {  	s10 =	sld [smem:$0x3FB4];
	_ =	sdelay $0x3  }
0x33: {  	p0 =	seq.s32 s10, $0x1;
	s10 =	sld [smem:$0x3FB6];
	_ =	sdelay $0x3  }
0x34: {  	[smem:$0x3FB6] =	sst s10  }
0x35: {  	s10 =	sld [smem:$0x3FB5];
	_ =	sdelay $0x3  }
0x36: {  	p1 =	seq.s32 s10, $0x1;
	s10 =	sld [smem:$0x3FB6];
	_ =	sdelay $0x3  }
0x37: {  	[smem:$0x3FB6] =	sst s10  }
0x38: {  	s10 =	sld [smem:$0x3FB7]  }
0x39: {  	_ = 	snop;
	(pc) =	sbr.ind lr, $3  }
0x3a: {  	_ = 	snop  }
0x3b: {  	_ = 	snop  }
0x3c: {  	p2 =	seq.s32 s10, $0x1;
	s10 =	sld [smem:$0x3FB6]  }
0x3d: {  	_ =	shalt  }
0x3e: {  	_ =	shalt  }
0x3f: {  	_ =	shalt  }
0x40: {  	_ =	shalt  }
0x41: {  	_ =	shalt  }
0x42: {  	_ =	shalt  }
0x43: {  	_ =	shalt  }
0x44: {  	_ =	shalt  }
0x45: {  	_ =	shalt  }
0x46: {  	_ =	shalt  }
0x47: {  	_ =	shalt  }
0x48: {  	_ =	shalt  }
0x49: {  	_ =	shalt  }
0x4a: {  	_ =	shalt  }
0x4b: {  	_ =	shalt  }
0x4c: {  	_ =	shalt  }
0x4d: {  	_ =	shalt  }
0x4e: {  	_ =	shalt  }
0x4f: {  	_ =	shalt  }
0x50: {  	_ =	shalt  }
0x51: {  	_ =	shalt  }
0x52: {  	_ =	shalt  }
0x53: {  	_ =	shalt  }
0x54: {  	_ =	shalt  }
0x55: {  	_ =	shalt  }
0x56: {  	_ =	shalt  }
0x57: {  	_ =	shalt  }
0x58: {  	_ =	shalt  }
0x59: {  	_ =	shalt  }
0x5a: {  	_ =	shalt  }
0x5b: {  	_ =	shalt  }
0x5c: {  	_ =	shalt  }
0x5d: {  	_ =	shalt  }
0x5e: {  	_ =	shalt  }
0x5f: {  	_ =	shalt  }
0x60: {  	_ =	shalt  }
0x61: {  	_ =	shalt  }
0x62: {  	_ =	shalt  }
0x63: {  	_ =	shalt  }
0x64: {  	_ =	shalt  }
0x65: {  	_ =	shalt  }
0x66: {  	_ =	shalt  }
0x67: {  	_ =	shalt  }
0x68: {  	_ =	shalt  }
0x69: {  	_ =	shalt  }
0x6a: {  	_ =	shalt  }
0x6b: {  	_ =	shalt  }
0x6c: {  	_ =	shalt  }
0x6d: {  	_ =	shalt  }
0x6e: {  	_ =	shalt  }
0x6f: {  	_ =	shalt  }
0x70: {  	_ =	shalt  }
0x71: {  	_ =	shalt  }
0x72: {  	_ =	shalt  }
0x73: {  	_ =	shalt  }
0x74: {  	_ =	shalt  }
0x75: {  	_ =	shalt  }
0x76: {  	_ =	shalt  }
0x77: {  	_ =	shalt  }
0x78: {  	_ =	shalt  }
0x79: {  	_ =	shalt  }
0x7a: {  	_ =	shalt  }
0x7b: {  	_ =	shalt  }
0x7c: {  	_ =	shalt  }
0x7d: {  	_ =	shalt  }
0x7e: {  	_ =	shalt  }
0x7f: {  	_ =	shalt  }
0x80: {  	_ =	shalt  }
0x81: {  	_ =	shalt  }
0x82: {  	_ =	shalt  }
0x83: {  	_ =	shalt  }
0x84: {  	_ =	shalt  }
0x85: {  	_ =	shalt  }
0x86: {  	_ =	shalt  }
0x87: {  	_ =	shalt  }
.Lfunc_end0:
.L_simem_size_0:
called_computation_lowered:
.L_overlay_start_0:
0x88: {  	s2 =	sld [smem:$0x3FD9]  }
0x89: {  	s3 =	sld [smem:$0x3FFE];
	_ =	sdelay $0x1  }
0x8a: {  	s1 =	srdreg.scid  }
0x8b: {  	s0 =	sand.u32 $0x1, s1  }
0x8c: {  	s17 =	sshll.u32 s0, $0xA;
	s2 =	sadd.s32 s3, s2  }
0x8d: {  	s2 =	sadd.s32 s2, s17  }
0x8e: {  	[smem:$0x3FC2] =	sst s2  }
0x8f: {  	_ = 	snop  }
0x90: {  	s2 =	sld [smem:$0x3FC8]  }
0x91: {  	s18 =	sld [smem:$0x3FC6]  }
0x92: {  	s4 =	sld [smem:$0x3FC4]  }
0x93: {  	s5 =	sld [smem:$0x3FD0];
	(tm) =	ssettm $0x1  }
0x94: {  	s6 =	sld [smem:$0x3FFB];
	_ =	sdelay $0x3  }
0x95: {  	_ =	strace s6  }
0x96: {  	s6 =	sld [smem:$0x3FFC];
	_ =	sdelay $0x3  }
0x97: {  	_ =	strace s6  }
0x98: {  	s6 =	sld [smem:$0x3FFD];
	_ =	sdelay $0x3  }
0x99: {  	_ =	strace s6  }
0x9a: {  	_ =	strace $0x8FFFFFFF  }
0x9b: {  	s19 =	sld [smem:$0x3FDB];
	_ =	sdelay $0x1  }
0x9c: {  	s7 =	simm.s32 $_scs_section_size  }
0x9d: {  	s8 =	simm.s32 $_size__tile_overlayer_lowered;
	s9 =	simm.s32 $_tile_overlayer_lowered  }
0x9e: {  	s22 =	simm.s32 $0x1BFF;
	s21 =	sshll.u32 s9, $0x1;
	s6 =	sadd.s32 s7, s19  }
0x9f: {  	s10 =	simm.s32 $0x0;
	s20 =	sshll.u32 s8, $0x1;
	s8 =	sadd.s32 s21, s6  }
0xa0: {  	[timem:s10], [sflag:s22] =	dma.local [hbm:s8], s20  }
0xa1: {  	_ =	swait.ge [sflag:s22], s20  }
0xa2: {  	s7 =	ssub.s32 $0x0, s20;
	[sflag:s22] =	ssyncset.done $0x0  }
0xa3: {  	[sflag:s22] =	ssyncadd.s32 s7;
	_ =	sdelay $0x1  }
0xa4: {  	s23 =	simm.s32 $0x1B8B  }
0xa5: {  	_ =	swait.ge [sflag:s23], $0x1  }
0xa6: {  	[sflag:s23] =	ssyncset.done $0x0  }
0xa7: {  	s25 =	simm.s32 $0x1B8E;
	s24 =	sld [smem:$0x3FFE];
	[sflag:s23] =	ssyncadd.s32 $0xFFFFFFFF  }
0xa8: {  	s26 =	simm.s32 $execute0_lowered;
	[smem:$0x3FD2] =	sst s25  }
0xa9: {  	s8 =	sshll.u32 s26, $0x1;
	_ =	strace $0x80000046;
	[dreg:$0x1] =	wrdreg $0xFFFFFFFF  }
0xaa: {  	s28 =	simm.s32 $_size_execute0_lowered;
	s6 =	sadd.s32 s6, s8;
	[dreg:$0x0] =	wrdreg $0x0  }
0xab: {  	s8 =	sshll.u32 s28, $0x1;
	[dreg:$0x2] =	wrdreg s6  }
0xac: {  	[dreg:$0x3] =	wrdreg s8  }
0xad: {  	[dreg:$0x4] =	wrdreg $0xC0  }
0xae: {  	_ =	task [dreg:s10], $0x5FFFF  }
0xaf: {  	[dreg:$0x1] =	wrdreg $0xFFFFFFFF  }
0xb0: {  	[dreg:$0x0] =	wrdreg $0x60  }
0xb1: {  	[dreg:$0x2] =	wrdreg s2  }
0xb2: {  	[dreg:$0x3] =	wrdreg s24  }
0xb3: {  	[dreg:$0x4] =	wrdreg s18  }
0xb4: {  	[dreg:$0x5] =	wrdreg s4  }
0xb5: {  	[dreg:$0x6] =	wrdreg s5  }
0xb6: {  	[dreg:$0x7] =	wrdreg $0x78000  }
0xb7: {  	[dreg:$0x8] =	wrdreg $0x9  }
0xb8: {  	_ =	task.clear_ibuf [dreg:s10], $0x9FFFF;
	_ =	strace $0x90000046  }
0xb9: {  	s29 =	simm.s32 $0x9;
	_ =	strace $0x80000048  }
0xba: {  	_ =	swait.ge [sflag:s29], $0x1  }
0xbb: {  	[sflag:s29] =	ssyncadd.s32 $0xFFFFFFFF  }
0xbc: {  	_ =	strace $0x90000048  }
0xbd: {  	_ =	sfence  }
0xbe: {  	s30 =	sld [smem:$0x0];
	_ =	sdelay $0x2  }
0xbf: {  	s31 =	sshll.u32 s1, $0xD;
	s1 =	sshrl.u32 s1, $0x2  }
0xc0: {  	s3 =	sand.u32 $0x4000, s31;
	s1 =	sadd.s32 s1, s30  }
0xc1: {  	s0 =	sor.u32 s3, s0;
	s1 =	sshll.u32 s1, $0x11  }
0xc2: {  	s0 =	sor.u32 s1, s0  }
0xc3: {  	s0 =	sadd.s32 $0x8F2B, s0  }
0xc4: {  	[sflag:s0] =	ssyncadd.remote.s32 $0x1  }
0xc5: {  	_ =	sfence.sel $0xFFFF  }
0xc6: {  	[dreg:$0x0] =	wrdreg $0xFFFFFFFF;
	(pc) =	sbr.abs _section_cstart, $3  }
0xc7: {  	[dreg:$0x1] =	wrdreg $0xFFFFFFFF  }
0xc8: {  	_ =	task.clear_ibuf [dreg:s10], $0x2FFFF;
	_ =	strace $0x9FFFFFFF  }
0xc9: {  	(tm) =	ssettm $0x7FFFFFFF  }
tec
execute0_lowered:
.L_overlay_start_1:
0x0: {  	(tag) =	ssettag $0x1  }
0x1: {  	s0 =	rddreg [dreg:$0x0]  }
0x2: {  	s1 =	rddreg [dreg:$0x1]  }
0x3: {  	s6 =	rddreg [dreg:$0x2]  }
0x4: {  	s4 =	rddreg [dreg:$0x3]  }
0x5: {  	s7 =	rddreg [dreg:$0x4];
	s17 =	stileid.u32  }
0x6: {  	s2 =	rddreg [dreg:$0x5];
	s3 =	simm.s32 $0x0;
	s5 =	smul.u32 $0x3000, s17  }
0x7: {  	s8 =	srdreg.scid;
	s28 =	simm.s32 $0x180;
	s9 =	smul.u32 $0x480, s17  }
0x8: {  	s29 =	simm.s32 $0x200;
	s30 =	simm.s32 $0x280;
	s11 =	smul.u32 $0x4F000, s17  }
0x9: {  	s31 =	simm.s32 $0x300;
	[smem:$0x7FF] =	sst s3;
	s14 =	smul.u32 $0x13C00, s17  }
0xa: {  	s8 =	sand.u32 $0x1, s8;
	s26 =	sshll.u32 s17, $0x6;
	s19 =	smul.u32 $0x2800, s17  }
0xb: {  	_ =	strace $0x80000047;
	s22 =	ssub.s32 $0x2, s8;
	s15 =	smul.u32 $0x13C000, s8  }
0xc: {  	p0 =	seq.s32 s8, $0x1;
	s10 =	sshrl.u32 s5, $0x3;
	s13 =	sshrl.u32 s22, $0x1  }
0xd: {  	s24 =	sshrl.u32 s11, $0x2;
	s25 =	sshrl.u32 s14, $0x3;
	s5 =	sor.u32 $0x1C01, s26  }
0xe: {  	s21 =	sshrl.u32 s19, $0x3;
	s11 =	simm.s32 $0x600;
	s12 =	sadd.s32 s10, s1  }
0xf: {  	s1 =	sadd.s32 s9, s1;
	s23 =	ssub.s32 s22, s13;
	s16 =	sadd.s32 s24, s2  }
0x10: {  	s4 =	sadd.s32 s4, s25;
	s18 =	sadd.s32 s14, s15;
	s10 =	sadd.s32 s0, s10  }
0x11: {  	s15 =	sadd.s32 s6, s21;
	s6 =	simm.s32 $0x500;
	s13 =	sadd.s32 $0x4C00, s12  }
0x12: {  	s14 =	simm.s32 $0x780;
	s1 =	sadd.s32 $0x400, s1;
	[dreg:$0x7] =	wrdreg s13  }
0x13: {  	s8 =	sshrl.u32 s18, $0x3;
	s0 =	sadd.s32 $0x100, s10;
	[dreg:$0x8] =	wrdreg s1  }
0x14: {  	s9 =	smax.u32 s23, $0x1;
	s20 =	sadd.s32 $0x200, s10;
	[dreg:$0x9] =	wrdreg s0  }
0x15: {  	s22 =	sadd.s32 $0x300, s10;
	s23 =	sadd.s32 $0x400, s10;
	[dreg:$0xa] =	wrdreg s20  }
0x16: {  	s24 =	sadd.s32 $0x500, s10;
	s25 =	sadd.s32 $0x100, s15;
	[dreg:$0xb] =	wrdreg s22  }
0x17: {  	s26 =	sadd.s32 $0x200, s15;
	s19 =	sadd.s32 $0x300, s15;
	[dreg:$0xc] =	wrdreg s23  }
0x18: {  	s21 =	sshrl.u32 s16, $0x3;
	s12 =	simm.s32 $0x680;
	[dreg:$0xd] =	wrdreg s24  }
.Ltmp0:
0x19: {  	s18 =	simm.s32 $0x800;
	[dreg:$0xe] =	wrdreg s25;
	(pc) =	sbr.rel .LBB2_1-.Ltmp0, $4  }
0x1a: {  	s8 =	sadd.s32 s7, s8;
	[dreg:$0xf] =	wrdreg s26;
	s20 =	sadd.s32 $0x400, s15  }
0x1b: {  	s22 =	simm.s32 $0x1;
	s24 =	simm.s32 $0x80;
	s25 =	simm.s32 $0x3800  }
0x1c: {  	s26 =	simm.s32 $0x100;
	s0 =	simm.s32 $0x380;
	s1 =	simm.s32 $0x400  }
0x1d: {  	s23 =	simm.s32 $0x480;
	s7 =	simm.s32 $0x580;
	s13 =	simm.s32 $0x700  }
.LBB2_3:
0x1e: {  	s16 =	simm.s32 $0x0;
	s17 =	rddreg [dreg:$0x8]  }
0x1f: {  	[tilespmem:s18], [sflag:$0x1] =	stream.linear.gather [hbm4b:s17+s16], $0x2080, $0x38;
	[tilespmem:$0x1B400] =	vst v63  }
0x20: {  	_ =	swait.ge [sflag:s22], $0x2080  }
0x21: {  	[sflag:s22] =	ssyncset.done $0x0  }
0x22: {  	[sflag:s22] =	ssyncadd.s32 $0xFFFFDF80  }
0x23: {  	[tilespmem:s16], [sflag:$0x1] =	stream.linear.gather [hbm4b:s15+s16], $0x800, $0x38;
	[tilespmem:$0x1B400] =	vst v63  }
0x24: {  	_ =	swait.ge [sflag:s22], $0x800  }
0x25: {  	[sflag:s22] =	ssyncset.done $0x0  }
0x26: {  	[sflag:s22] =	ssyncadd.s32 $0xFFFFF800  }
0x27: {  	[spmem:s2] =	stream.indirect.scatter.add.f32 [tilespmem:s25], [sflag:$0x1], $0x80, s16, s24, $0xb8;
	[tilespmem:$0x1B400] =	vst v63  }
0x28: {  	_ =	swait.ge [sflag:s22], $0x4000  }
0x29: {  	[sflag:s22] =	ssyncset.done $0x0  }
0x2a: {  	[sflag:s22] =	ssyncadd.s32 $0xFFFFC000  }
0x2b: {  	[spmem:s2] =	stream.indirect.scatter.add.f32 [tilespmem:s25], [sflag:$0x1], $0x80, s24, s24, $0xb8;
	[tilespmem:$0x1B400] =	vst v63  }
0x2c: {  	_ =	swait.ge [sflag:s22], $0x4000  }
0x2d: {  	[sflag:s22] =	ssyncset.done $0x0  }
0x2e: {  	[sflag:s22] =	ssyncadd.s32 $0xFFFFC000  }
0x2f: {  	[spmem:s2] =	stream.indirect.scatter.add.f32 [tilespmem:s25], [sflag:$0x1], $0x80, s26, s24, $0xb8;
	[tilespmem:$0x1B400] =	vst v63  }
0x30: {  	_ =	swait.ge [sflag:s22], $0x4000  }
0x31: {  	[sflag:s22] =	ssyncset.done $0x0  }
0x32: {  	[sflag:s22] =	ssyncadd.s32 $0xFFFFC000  }
0x33: {  	[spmem:s2] =	stream.indirect.scatter.add.f32 [tilespmem:s25], [sflag:$0x1], $0x80, s28, s24, $0xb8;
	[tilespmem:$0x1B400] =	vst v63  }
0x34: {  	_ =	swait.ge [sflag:s22], $0x4000  }
0x35: {  	[sflag:s22] =	ssyncset.done $0x0  }
0x36: {  	[sflag:s22] =	ssyncadd.s32 $0xFFFFC000  }
0x37: {  	[spmem:s2] =	stream.indirect.scatter.add.f32 [tilespmem:s25], [sflag:$0x1], $0x80, s29, s24, $0xb8;
	[tilespmem:$0x1B400] =	vst v63  }
0x38: {  	_ =	swait.ge [sflag:s22], $0x4000  }
0x39: {  	[sflag:s22] =	ssyncset.done $0x0  }
0x3a: {  	[sflag:s22] =	ssyncadd.s32 $0xFFFFC000  }
0x3b: {  	[spmem:s2] =	stream.indirect.scatter.add.f32 [tilespmem:s25], [sflag:$0x1], $0x80, s30, s24, $0xb8;
	[tilespmem:$0x1B400] =	vst v63  }
0x3c: {  	_ =	swait.ge [sflag:s22], $0x4000  }
0x3d: {  	[sflag:s22] =	ssyncset.done $0x0  }
0x3e: {  	[sflag:s22] =	ssyncadd.s32 $0xFFFFC000  }
0x3f: {  	[spmem:s2] =	stream.indirect.scatter.add.f32 [tilespmem:s25], [sflag:$0x1], $0x80, s31, s24, $0xb8;
	[tilespmem:$0x1B400] =	vst v63  }
0x40: {  	_ =	swait.ge [sflag:s22], $0x4000  }
0x41: {  	[sflag:s22] =	ssyncset.done $0x0  }
0x42: {  	[sflag:s22] =	ssyncadd.s32 $0xFFFFC000  }
0x43: {  	[spmem:s2] =	stream.indirect.scatter.add.f32 [tilespmem:s25], [sflag:$0x1], $0x80, s0, s24, $0xb8;
	[tilespmem:$0x1B400] =	vst v63  }
0x44: {  	_ =	swait.ge [sflag:s22], $0x4000  }
0x45: {  	[sflag:s22] =	ssyncset.done $0x0  }
0x46: {  	[sflag:s22] =	ssyncadd.s32 $0xFFFFC000  }
0x47: {  	[spmem:s2] =	stream.indirect.scatter.add.f32 [tilespmem:s25], [sflag:$0x1], $0x80, s1, s24, $0xb8;
	[tilespmem:$0x1B400] =	vst v63  }
0x48: {  	_ =	swait.ge [sflag:s22], $0x4000  }
0x49: {  	[sflag:s22] =	ssyncset.done $0x0  }
0x4a: {  	[sflag:s22] =	ssyncadd.s32 $0xFFFFC000  }
0x4b: {  	[spmem:s2] =	stream.indirect.scatter.add.f32 [tilespmem:s25], [sflag:$0x1], $0x80, s23, s24, $0xb8;
	[tilespmem:$0x1B400] =	vst v63  }
0x4c: {  	_ =	swait.ge [sflag:s22], $0x4000  }
0x4d: {  	[sflag:s22] =	ssyncset.done $0x0  }
0x4e: {  	[sflag:s22] =	ssyncadd.s32 $0xFFFFC000  }
0x4f: {  	[spmem:s2] =	stream.indirect.scatter.add.f32 [tilespmem:s25], [sflag:$0x1], $0x80, s6, s24, $0xb8;
	[tilespmem:$0x1B400] =	vst v63  }
0x50: {  	_ =	swait.ge [sflag:s22], $0x4000  }
0x51: {  	[sflag:s22] =	ssyncset.done $0x0  }
0x52: {  	[sflag:s22] =	ssyncadd.s32 $0xFFFFC000  }
0x53: {  	[spmem:s2] =	stream.indirect.scatter.add.f32 [tilespmem:s25], [sflag:$0x1], $0x80, s7, s24, $0xb8;
	[tilespmem:$0x1B400] =	vst v63  }
0x54: {  	_ =	swait.ge [sflag:s22], $0x4000  }
0x55: {  	[sflag:s22] =	ssyncset.done $0x0  }
0x56: {  	[sflag:s22] =	ssyncadd.s32 $0xFFFFC000  }
0x57: {  	[spmem:s2] =	stream.indirect.scatter.add.f32 [tilespmem:s25], [sflag:$0x1], $0x80, s11, s24, $0xb8;
	[tilespmem:$0x1B400] =	vst v63  }
0x58: {  	_ =	swait.ge [sflag:s22], $0x4000  }
0x59: {  	[sflag:s22] =	ssyncset.done $0x0  }
0x5a: {  	[sflag:s22] =	ssyncadd.s32 $0xFFFFC000  }
0x5b: {  	[spmem:s2] =	stream.indirect.scatter.add.f32 [tilespmem:s25], [sflag:$0x1], $0x80, s12, s24, $0xb8;
	[tilespmem:$0x1B400] =	vst v63  }
0x5c: {  	_ =	swait.ge [sflag:s22], $0x4000  }
0x5d: {  	[sflag:s22] =	ssyncset.done $0x0  }
0x5e: {  	[sflag:s22] =	ssyncadd.s32 $0xFFFFC000  }
0x5f: {  	[spmem:s2] =	stream.indirect.scatter.add.f32 [tilespmem:s25], [sflag:$0x1], $0x80, s13, s24, $0xb8;
	[tilespmem:$0x1B400] =	vst v63  }
0x60: {  	_ =	swait.ge [sflag:s22], $0x4000  }
0x61: {  	[sflag:s22] =	ssyncset.done $0x0  }
0x62: {  	[sflag:s22] =	ssyncadd.s32 $0xFFFFC000  }
0x63: {  	[spmem:s2] =	stream.indirect.scatter.add.f32 [tilespmem:s25], [sflag:$0x1], $0x80, s14, s24, $0xb8;
	[tilespmem:$0x1B400] =	vst v63  }
0x64: {  	_ =	swait.ge [sflag:s22], $0x4000  }
0x65: {  	[sflag:s22] =	ssyncset.done $0x0  }
0x66: {  	s17 =	rddreg [dreg:$0xe];
	[sflag:s22] =	ssyncadd.s32 $0xFFFFC000  }
0x67: {  	[tilespmem:s16], [sflag:$0x1] =	stream.linear.gather [hbm4b:s17+s16], $0x800, $0x38;
	[tilespmem:$0x1B400] =	vst v63  }
0x68: {  	_ =	swait.ge [sflag:s22], $0x800  }
0x69: {  	[sflag:s22] =	ssyncset.done $0x0  }
0x6a: {  	[sflag:s22] =	ssyncadd.s32 $0xFFFFF800  }
0x6b: {  	[spmem:s2] =	stream.indirect.scatter.add.f32 [tilespmem:s25], [sflag:$0x1], $0x80, s16, s24, $0xb8;
	[tilespmem:$0x1B400] =	vst v63  }
0x6c: {  	_ =	swait.ge [sflag:s22], $0x4000  }
0x6d: {  	[sflag:s22] =	ssyncset.done $0x0  }
0x6e: {  	[sflag:s22] =	ssyncadd.s32 $0xFFFFC000  }
0x6f: {  	[spmem:s2] =	stream.indirect.scatter.add.f32 [tilespmem:s25], [sflag:$0x1], $0x80, s24, s24, $0xb8;
	[tilespmem:$0x1B400] =	vst v63  }
0x70: {  	_ =	swait.ge [sflag:s22], $0x4000  }
0x71: {  	[sflag:s22] =	ssyncset.done $0x0  }
0x72: {  	[sflag:s22] =	ssyncadd.s32 $0xFFFFC000  }
0x73: {  	[spmem:s2] =	stream.indirect.scatter.add.f32 [tilespmem:s25], [sflag:$0x1], $0x80, s26, s24, $0xb8;
	[tilespmem:$0x1B400] =	vst v63  }
0x74: {  	_ =	swait.ge [sflag:s22], $0x4000  }
0x75: {  	[sflag:s22] =	ssyncset.done $0x0  }
0x76: {  	[sflag:s22] =	ssyncadd.s32 $0xFFFFC000  }
0x77: {  	[spmem:s2] =	stream.indirect.scatter.add.f32 [tilespmem:s25], [sflag:$0x1], $0x80, s28, s24, $0xb8;
	[tilespmem:$0x1B400] =	vst v63  }
0x78: {  	_ =	swait.ge [sflag:s22], $0x4000  }
0x79: {  	[sflag:s22] =	ssyncset.done $0x0  }
0x7a: {  	[sflag:s22] =	ssyncadd.s32 $0xFFFFC000  }
0x7b: {  	[spmem:s2] =	stream.indirect.scatter.add.f32 [tilespmem:s25], [sflag:$0x1], $0x80, s29, s24, $0xb8;
	[tilespmem:$0x1B400] =	vst v63  }
0x7c: {  	_ =	swait.ge [sflag:s22], $0x4000  }
0x7d: {  	[sflag:s22] =	ssyncset.done $0x0  }
0x7e: {  	[sflag:s22] =	ssyncadd.s32 $0xFFFFC000  }
0x7f: {  	[spmem:s2] =	stream.indirect.scatter.add.f32 [tilespmem:s25], [sflag:$0x1], $0x80, s30, s24, $0xb8;
	[tilespmem:$0x1B400] =	vst v63  }
0x80: {  	_ =	swait.ge [sflag:s22], $0x4000  }
0x81: {  	[sflag:s22] =	ssyncset.done $0x0  }
0x82: {  	[sflag:s22] =	ssyncadd.s32 $0xFFFFC000  }
0x83: {  	[spmem:s2] =	stream.indirect.scatter.add.f32 [tilespmem:s25], [sflag:$0x1], $0x80, s31, s24, $0xb8;
	[tilespmem:$0x1B400] =	vst v63  }
0x84: {  	_ =	swait.ge [sflag:s22], $0x4000  }
0x85: {  	[sflag:s22] =	ssyncset.done $0x0  }
0x86: {  	[sflag:s22] =	ssyncadd.s32 $0xFFFFC000  }
0x87: {  	[spmem:s2] =	stream.indirect.scatter.add.f32 [tilespmem:s25], [sflag:$0x1], $0x80, s0, s24, $0xb8;
	[tilespmem:$0x1B400] =	vst v63  }
0x88: {  	_ =	swait.ge [sflag:s22], $0x4000  }
0x89: {  	[sflag:s22] =	ssyncset.done $0x0  }
0x8a: {  	[sflag:s22] =	ssyncadd.s32 $0xFFFFC000  }
0x8b: {  	[spmem:s2] =	stream.indirect.scatter.add.f32 [tilespmem:s25], [sflag:$0x1], $0x80, s1, s24, $0xb8;
	[tilespmem:$0x1B400] =	vst v63  }
0x8c: {  	_ =	swait.ge [sflag:s22], $0x4000  }
0x8d: {  	[sflag:s22] =	ssyncset.done $0x0  }
0x8e: {  	[sflag:s22] =	ssyncadd.s32 $0xFFFFC000  }
0x8f: {  	[spmem:s2] =	stream.indirect.scatter.add.f32 [tilespmem:s25], [sflag:$0x1], $0x80, s23, s24, $0xb8;
	[tilespmem:$0x1B400] =	vst v63  }
0x90: {  	_ =	swait.ge [sflag:s22], $0x4000  }
0x91: {  	[sflag:s22] =	ssyncset.done $0x0  }
0x92: {  	[sflag:s22] =	ssyncadd.s32 $0xFFFFC000  }
0x93: {  	[spmem:s2] =	stream.indirect.scatter.add.f32 [tilespmem:s25], [sflag:$0x1], $0x80, s6, s24, $0xb8;
	[tilespmem:$0x1B400] =	vst v63  }
0x94: {  	_ =	swait.ge [sflag:s22], $0x4000  }
0x95: {  	[sflag:s22] =	ssyncset.done $0x0  }
0x96: {  	[sflag:s22] =	ssyncadd.s32 $0xFFFFC000  }
0x97: {  	[spmem:s2] =	stream.indirect.scatter.add.f32 [tilespmem:s25], [sflag:$0x1], $0x80, s7, s24, $0xb8;
	[tilespmem:$0x1B400] =	vst v63  }
0x98: {  	_ =	swait.ge [sflag:s22], $0x4000  }
0x99: {  	[sflag:s22] =	ssyncset.done $0x0  }
0x9a: {  	[sflag:s22] =	ssyncadd.s32 $0xFFFFC000  }
0x9b: {  	[spmem:s2] =	stream.indirect.scatter.add.f32 [tilespmem:s25], [sflag:$0x1], $0x80, s11, s24, $0xb8;
	[tilespmem:$0x1B400] =	vst v63  }
0x9c: {  	_ =	swait.ge [sflag:s22], $0x4000  }
0x9d: {  	[sflag:s22] =	ssyncset.done $0x0  }
0x9e: {  	[sflag:s22] =	ssyncadd.s32 $0xFFFFC000  }
0x9f: {  	[spmem:s2] =	stream.indirect.scatter.add.f32 [tilespmem:s25], [sflag:$0x1], $0x80, s12, s24, $0xb8;
	[tilespmem:$0x1B400] =	vst v63  }
0xa0: {  	_ =	swait.ge [sflag:s22], $0x4000  }
0xa1: {  	[sflag:s22] =	ssyncset.done $0x0  }
0xa2: {  	[sflag:s22] =	ssyncadd.s32 $0xFFFFC000  }
0xa3: {  	[spmem:s2] =	stream.indirect.scatter.add.f32 [tilespmem:s25], [sflag:$0x1], $0x80, s13, s24, $0xb8;
	[tilespmem:$0x1B400] =	vst v63  }
0xa4: {  	_ =	swait.ge [sflag:s22], $0x4000  }
0xa5: {  	[sflag:s22] =	ssyncset.done $0x0  }
0xa6: {  	[sflag:s22] =	ssyncadd.s32 $0xFFFFC000  }
0xa7: {  	[spmem:s2] =	stream.indirect.scatter.add.f32 [tilespmem:s25], [sflag:$0x1], $0x80, s14, s24, $0xb8;
	[tilespmem:$0x1B400] =	vst v63  }
0xa8: {  	_ =	swait.ge [sflag:s22], $0x4000  }
0xa9: {  	[sflag:s22] =	ssyncset.done $0x0  }
0xaa: {  	s17 =	rddreg [dreg:$0xf];
	[sflag:s22] =	ssyncadd.s32 $0xFFFFC000  }
0xab: {  	[tilespmem:s16], [sflag:$0x1] =	stream.linear.gather [hbm4b:s17+s16], $0x800, $0x38;
	[tilespmem:$0x1B400] =	vst v63  }
0xac: {  	_ =	swait.ge [sflag:s22], $0x800  }
0xad: {  	[sflag:s22] =	ssyncset.done $0x0  }
0xae: {  	[sflag:s22] =	ssyncadd.s32 $0xFFFFF800  }
0xaf: {  	[spmem:s2] =	stream.indirect.scatter.add.f32 [tilespmem:s25], [sflag:$0x1], $0x80, s16, s24, $0xb8;
	[tilespmem:$0x1B400] =	vst v63  }
0xb0: {  	_ =	swait.ge [sflag:s22], $0x4000  }
0xb1: {  	[sflag:s22] =	ssyncset.done $0x0  }
0xb2: {  	[sflag:s22] =	ssyncadd.s32 $0xFFFFC000  }
0xb3: {  	[spmem:s2] =	stream.indirect.scatter.add.f32 [tilespmem:s25], [sflag:$0x1], $0x80, s24, s24, $0xb8;
	[tilespmem:$0x1B400] =	vst v63  }
0xb4: {  	_ =	swait.ge [sflag:s22], $0x4000  }
0xb5: {  	[sflag:s22] =	ssyncset.done $0x0  }
0xb6: {  	[sflag:s22] =	ssyncadd.s32 $0xFFFFC000  }
0xb7: {  	[spmem:s2] =	stream.indirect.scatter.add.f32 [tilespmem:s25], [sflag:$0x1], $0x80, s26, s24, $0xb8;
	[tilespmem:$0x1B400] =	vst v63  }
0xb8: {  	_ =	swait.ge [sflag:s22], $0x4000  }
0xb9: {  	[sflag:s22] =	ssyncset.done $0x0  }
0xba: {  	[sflag:s22] =	ssyncadd.s32 $0xFFFFC000  }
0xbb: {  	[spmem:s2] =	stream.indirect.scatter.add.f32 [tilespmem:s25], [sflag:$0x1], $0x80, s28, s24, $0xb8;
	[tilespmem:$0x1B400] =	vst v63  }
0xbc: {  	_ =	swait.ge [sflag:s22], $0x4000  }
0xbd: {  	[sflag:s22] =	ssyncset.done $0x0  }
0xbe: {  	[sflag:s22] =	ssyncadd.s32 $0xFFFFC000  }
0xbf: {  	[spmem:s2] =	stream.indirect.scatter.add.f32 [tilespmem:s25], [sflag:$0x1], $0x80, s29, s24, $0xb8;
	[tilespmem:$0x1B400] =	vst v63  }
0xc0: {  	_ =	swait.ge [sflag:s22], $0x4000  }
0xc1: {  	[sflag:s22] =	ssyncset.done $0x0  }
0xc2: {  	[sflag:s22] =	ssyncadd.s32 $0xFFFFC000  }
0xc3: {  	[spmem:s2] =	stream.indirect.scatter.add.f32 [tilespmem:s25], [sflag:$0x1], $0x80, s30, s24, $0xb8;
	[tilespmem:$0x1B400] =	vst v63  }
0xc4: {  	_ =	swait.ge [sflag:s22], $0x4000  }
0xc5: {  	[sflag:s22] =	ssyncset.done $0x0  }
0xc6: {  	[sflag:s22] =	ssyncadd.s32 $0xFFFFC000  }
0xc7: {  	[spmem:s2] =	stream.indirect.scatter.add.f32 [tilespmem:s25], [sflag:$0x1], $0x80, s31, s24, $0xb8;
	[tilespmem:$0x1B400] =	vst v63  }
0xc8: {  	_ =	swait.ge [sflag:s22], $0x4000  }
0xc9: {  	[sflag:s22] =	ssyncset.done $0x0  }
0xca: {  	[sflag:s22] =	ssyncadd.s32 $0xFFFFC000  }
0xcb: {  	[spmem:s2] =	stream.indirect.scatter.add.f32 [tilespmem:s25], [sflag:$0x1], $0x80, s0, s24, $0xb8;
	[tilespmem:$0x1B400] =	vst v63  }
0xcc: {  	_ =	swait.ge [sflag:s22], $0x4000  }
0xcd: {  	[sflag:s22] =	ssyncset.done $0x0  }
0xce: {  	[sflag:s22] =	ssyncadd.s32 $0xFFFFC000  }
0xcf: {  	[spmem:s2] =	stream.indirect.scatter.add.f32 [tilespmem:s25], [sflag:$0x1], $0x80, s1, s24, $0xb8;
	[tilespmem:$0x1B400] =	vst v63  }
0xd0: {  	_ =	swait.ge [sflag:s22], $0x4000  }
0xd1: {  	[sflag:s22] =	ssyncset.done $0x0  }
0xd2: {  	[sflag:s22] =	ssyncadd.s32 $0xFFFFC000  }
0xd3: {  	[spmem:s2] =	stream.indirect.scatter.add.f32 [tilespmem:s25], [sflag:$0x1], $0x80, s23, s24, $0xb8;
	[tilespmem:$0x1B400] =	vst v63  }
0xd4: {  	_ =	swait.ge [sflag:s22], $0x4000  }
0xd5: {  	[sflag:s22] =	ssyncset.done $0x0  }
0xd6: {  	[sflag:s22] =	ssyncadd.s32 $0xFFFFC000  }
0xd7: {  	[spmem:s2] =	stream.indirect.scatter.add.f32 [tilespmem:s25], [sflag:$0x1], $0x80, s6, s24, $0xb8;
	[tilespmem:$0x1B400] =	vst v63  }
0xd8: {  	_ =	swait.ge [sflag:s22], $0x4000  }
0xd9: {  	[sflag:s22] =	ssyncset.done $0x0  }
0xda: {  	[sflag:s22] =	ssyncadd.s32 $0xFFFFC000  }
0xdb: {  	[spmem:s2] =	stream.indirect.scatter.add.f32 [tilespmem:s25], [sflag:$0x1], $0x80, s7, s24, $0xb8;
	[tilespmem:$0x1B400] =	vst v63  }
0xdc: {  	_ =	swait.ge [sflag:s22], $0x4000  }
0xdd: {  	[sflag:s22] =	ssyncset.done $0x0  }
0xde: {  	[sflag:s22] =	ssyncadd.s32 $0xFFFFC000  }
0xdf: {  	[spmem:s2] =	stream.indirect.scatter.add.f32 [tilespmem:s25], [sflag:$0x1], $0x80, s11, s24, $0xb8;
	[tilespmem:$0x1B400] =	vst v63  }
0xe0: {  	_ =	swait.ge [sflag:s22], $0x4000  }
0xe1: {  	[sflag:s22] =	ssyncset.done $0x0  }
0xe2: {  	[sflag:s22] =	ssyncadd.s32 $0xFFFFC000  }
0xe3: {  	[spmem:s2] =	stream.indirect.scatter.add.f32 [tilespmem:s25], [sflag:$0x1], $0x80, s12, s24, $0xb8;
	[tilespmem:$0x1B400] =	vst v63  }
0xe4: {  	_ =	swait.ge [sflag:s22], $0x4000  }
0xe5: {  	[sflag:s22] =	ssyncset.done $0x0  }
0xe6: {  	[sflag:s22] =	ssyncadd.s32 $0xFFFFC000  }
0xe7: {  	[spmem:s2] =	stream.indirect.scatter.add.f32 [tilespmem:s25], [sflag:$0x1], $0x80, s13, s24, $0xb8;
	[tilespmem:$0x1B400] =	vst v63  }
0xe8: {  	_ =	swait.ge [sflag:s22], $0x4000  }
0xe9: {  	[sflag:s22] =	ssyncset.done $0x0  }
0xea: {  	[sflag:s22] =	ssyncadd.s32 $0xFFFFC000  }
0xeb: {  	[spmem:s2] =	stream.indirect.scatter.add.f32 [tilespmem:s25], [sflag:$0x1], $0x80, s14, s24, $0xb8;
	[tilespmem:$0x1B400] =	vst v63  }
0xec: {  	_ =	swait.ge [sflag:s22], $0x4000  }
0xed: {  	[sflag:s22] =	ssyncset.done $0x0  }
0xee: {  	[sflag:s22] =	ssyncadd.s32 $0xFFFFC000  }
0xef: {  	[tilespmem:s16], [sflag:$0x1] =	stream.linear.gather [hbm4b:s19+s16], $0x800, $0x38;
	[tilespmem:$0x1B400] =	vst v63  }
0xf0: {  	_ =	swait.ge [sflag:s22], $0x800  }
0xf1: {  	[sflag:s22] =	ssyncset.done $0x0  }
0xf2: {  	[sflag:s22] =	ssyncadd.s32 $0xFFFFF800  }
0xf3: {  	[spmem:s2] =	stream.indirect.scatter.add.f32 [tilespmem:s25], [sflag:$0x1], $0x80, s16, s24, $0xb8;
	[tilespmem:$0x1B400] =	vst v63  }
0xf4: {  	_ =	swait.ge [sflag:s22], $0x4000  }
0xf5: {  	[sflag:s22] =	ssyncset.done $0x0  }
0xf6: {  	[sflag:s22] =	ssyncadd.s32 $0xFFFFC000  }
0xf7: {  	[spmem:s2] =	stream.indirect.scatter.add.f32 [tilespmem:s25], [sflag:$0x1], $0x80, s24, s24, $0xb8;
	[tilespmem:$0x1B400] =	vst v63  }
0xf8: {  	_ =	swait.ge [sflag:s22], $0x4000  }
0xf9: {  	[sflag:s22] =	ssyncset.done $0x0  }
0xfa: {  	[sflag:s22] =	ssyncadd.s32 $0xFFFFC000  }
0xfb: {  	[spmem:s2] =	stream.indirect.scatter.add.f32 [tilespmem:s25], [sflag:$0x1], $0x80, s26, s24, $0xb8;
	[tilespmem:$0x1B400] =	vst v63  }
0xfc: {  	_ =	swait.ge [sflag:s22], $0x4000  }
0xfd: {  	[sflag:s22] =	ssyncset.done $0x0  }
0xfe: {  	[sflag:s22] =	ssyncadd.s32 $0xFFFFC000  }
0xff: {  	[spmem:s2] =	stream.indirect.scatter.add.f32 [tilespmem:s25], [sflag:$0x1], $0x80, s28, s24, $0xb8;
	[tilespmem:$0x1B400] =	vst v63  }
0x100: {  	_ =	swait.ge [sflag:s22], $0x4000  }
0x101: {  	[sflag:s22] =	ssyncset.done $0x0  }
0x102: {  	[sflag:s22] =	ssyncadd.s32 $0xFFFFC000  }
0x103: {  	[spmem:s2] =	stream.indirect.scatter.add.f32 [tilespmem:s25], [sflag:$0x1], $0x80, s29, s24, $0xb8;
	[tilespmem:$0x1B400] =	vst v63  }
0x104: {  	_ =	swait.ge [sflag:s22], $0x4000  }
0x105: {  	[sflag:s22] =	ssyncset.done $0x0  }
0x106: {  	[sflag:s22] =	ssyncadd.s32 $0xFFFFC000  }
0x107: {  	[spmem:s2] =	stream.indirect.scatter.add.f32 [tilespmem:s25], [sflag:$0x1], $0x80, s30, s24, $0xb8;
	[tilespmem:$0x1B400] =	vst v63  }
0x108: {  	_ =	swait.ge [sflag:s22], $0x4000  }
0x109: {  	[sflag:s22] =	ssyncset.done $0x0  }
0x10a: {  	[sflag:s22] =	ssyncadd.s32 $0xFFFFC000  }
0x10b: {  	[spmem:s2] =	stream.indirect.scatter.add.f32 [tilespmem:s25], [sflag:$0x1], $0x80, s31, s24, $0xb8;
	[tilespmem:$0x1B400] =	vst v63  }
0x10c: {  	_ =	swait.ge [sflag:s22], $0x4000  }
0x10d: {  	[sflag:s22] =	ssyncset.done $0x0  }
0x10e: {  	[sflag:s22] =	ssyncadd.s32 $0xFFFFC000  }
0x10f: {  	[spmem:s2] =	stream.indirect.scatter.add.f32 [tilespmem:s25], [sflag:$0x1], $0x80, s0, s24, $0xb8;
	[tilespmem:$0x1B400] =	vst v63  }
0x110: {  	_ =	swait.ge [sflag:s22], $0x4000  }
0x111: {  	[sflag:s22] =	ssyncset.done $0x0  }
0x112: {  	[sflag:s22] =	ssyncadd.s32 $0xFFFFC000  }
0x113: {  	[spmem:s2] =	stream.indirect.scatter.add.f32 [tilespmem:s25], [sflag:$0x1], $0x80, s1, s24, $0xb8;
	[tilespmem:$0x1B400] =	vst v63  }
0x114: {  	_ =	swait.ge [sflag:s22], $0x4000  }
0x115: {  	[sflag:s22] =	ssyncset.done $0x0  }
0x116: {  	[sflag:s22] =	ssyncadd.s32 $0xFFFFC000  }
0x117: {  	[spmem:s2] =	stream.indirect.scatter.add.f32 [tilespmem:s25], [sflag:$0x1], $0x80, s23, s24, $0xb8;
	[tilespmem:$0x1B400] =	vst v63  }
0x118: {  	_ =	swait.ge [sflag:s22], $0x4000  }
0x119: {  	[sflag:s22] =	ssyncset.done $0x0  }
0x11a: {  	[sflag:s22] =	ssyncadd.s32 $0xFFFFC000  }
0x11b: {  	[spmem:s2] =	stream.indirect.scatter.add.f32 [tilespmem:s25], [sflag:$0x1], $0x80, s6, s24, $0xb8;
	[tilespmem:$0x1B400] =	vst v63  }
0x11c: {  	_ =	swait.ge [sflag:s22], $0x4000  }
0x11d: {  	[sflag:s22] =	ssyncset.done $0x0  }
0x11e: {  	[sflag:s22] =	ssyncadd.s32 $0xFFFFC000  }
0x11f: {  	[spmem:s2] =	stream.indirect.scatter.add.f32 [tilespmem:s25], [sflag:$0x1], $0x80, s7, s24, $0xb8;
	[tilespmem:$0x1B400] =	vst v63  }
0x120: {  	_ =	swait.ge [sflag:s22], $0x4000  }
0x121: {  	[sflag:s22] =	ssyncset.done $0x0  }
0x122: {  	[sflag:s22] =	ssyncadd.s32 $0xFFFFC000  }
0x123: {  	[spmem:s2] =	stream.indirect.scatter.add.f32 [tilespmem:s25], [sflag:$0x1], $0x80, s11, s24, $0xb8;
	[tilespmem:$0x1B400] =	vst v63  }
0x124: {  	_ =	swait.ge [sflag:s22], $0x4000  }
0x125: {  	[sflag:s22] =	ssyncset.done $0x0  }
0x126: {  	[sflag:s22] =	ssyncadd.s32 $0xFFFFC000  }
0x127: {  	[spmem:s2] =	stream.indirect.scatter.add.f32 [tilespmem:s25], [sflag:$0x1], $0x80, s12, s24, $0xb8;
	[tilespmem:$0x1B400] =	vst v63  }
0x128: {  	_ =	swait.ge [sflag:s22], $0x4000  }
0x129: {  	[sflag:s22] =	ssyncset.done $0x0  }
0x12a: {  	[sflag:s22] =	ssyncadd.s32 $0xFFFFC000  }
0x12b: {  	[spmem:s2] =	stream.indirect.scatter.add.f32 [tilespmem:s25], [sflag:$0x1], $0x80, s13, s24, $0xb8;
	[tilespmem:$0x1B400] =	vst v63  }
0x12c: {  	_ =	swait.ge [sflag:s22], $0x4000  }
0x12d: {  	[sflag:s22] =	ssyncset.done $0x0  }
0x12e: {  	[sflag:s22] =	ssyncadd.s32 $0xFFFFC000  }
0x12f: {  	[spmem:s2] =	stream.indirect.scatter.add.f32 [tilespmem:s25], [sflag:$0x1], $0x80, s14, s24, $0xb8;
	[tilespmem:$0x1B400] =	vst v63  }
0x130: {  	_ =	swait.ge [sflag:s22], $0x4000  }
0x131: {  	[sflag:s22] =	ssyncset.done $0x0  }
0x132: {  	[sflag:s22] =	ssyncadd.s32 $0xFFFFC000  }
0x133: {  	[tilespmem:s16], [sflag:$0x1] =	stream.linear.gather [hbm4b:s20+s16], $0x800, $0x38;
	[tilespmem:$0x1B400] =	vst v63  }
0x134: {  	_ =	swait.ge [sflag:s22], $0x800  }
0x135: {  	[sflag:s22] =	ssyncset.done $0x0  }
0x136: {  	[sflag:s22] =	ssyncadd.s32 $0xFFFFF800  }
.LBB2_4:
0x137: {  	[spmem:s2] =	stream.indirect.scatter.add.f32 [tilespmem:s25], [sflag:$0x1], $0x80, s16, s24, $0xb8;
	[tilespmem:$0x1B400] =	vst v63  }
0x138: {  	_ =	swait.ge [sflag:s22], $0x4000  }
0x139: {  	s9 =	sadd.s32 $0xFFFFFFFF, s9;
	[sflag:s22] =	ssyncset.done $0x0  }
0x13a: {  	p1 =	sne.s32 s9, $0x0;
	[sflag:s22] =	ssyncadd.s32 $0xFFFFC000  }
.Ltmp1:
0x13b: {  	[bflag:$0x0] =	sbarrier.arrive $0xFFFF;
	(pc) =	sbr.rel @!p1 .LBB2_5-.Ltmp1, $4  }
0x13c: {  	[hbm:s8], [sflag:s5] =	dma.local [spmem:s21], $0x2780  }
0x13d: {  	_ =	swait.ge [sflag:s22], $0x2780  }
0x13e: {  	[sflag:s22] =	ssyncset.done $0x0  }
0x13f: {  	[sflag:s22] =	ssyncadd.s32 $0xFFFFD880  }
.LBB2_1:
0x140: {  	[spmem:s21], [sflag:s5] =	dma.local [hbm:s4], $0x2780  }
.Ltmp2:
0x141: {  	_ =	swait.ge [sflag:s22], $0x2780;
	(pc) =	sbr.rel @p0 .LBB2_3-.Ltmp2, $3  }
0x142: {  	[sflag:s22] =	ssyncset.done $0x0  }
0x143: {  	[sflag:s22] =	ssyncadd.s32 $0xFFFFD880  }
0x144: {  	[bflag:$0x0] =	sbarrier.arrive $0xFFFF;
	_ =	sdelay $0x1  }
0x145: {  	s16 =	rddreg [dreg:$0x7];
	s17 =	simm.s32 $0x800  }
0x146: {  	[tilespmem:s17], [sflag:$0x1] =	stream.linear.gather [hbm4b:s16+s3], $0x2E00, $0x38;
	[tilespmem:$0x1B400] =	vst v63  }
0x147: {  	_ =	swait.ge [sflag:s22], $0x2E00  }
0x148: {  	[sflag:s22] =	ssyncset.done $0x0  }
0x149: {  	[sflag:s22] =	ssyncadd.s32 $0xFFFFD200  }
0x14a: {  	[tilespmem:s3], [sflag:$0x1] =	stream.linear.gather [hbm4b:s10+s3], $0x800, $0x38;
	[tilespmem:$0x1B400] =	vst v63  }
0x14b: {  	_ =	swait.ge [sflag:s22], $0x800  }
0x14c: {  	[sflag:s22] =	ssyncset.done $0x0  }
0x14d: {  	[sflag:s22] =	ssyncadd.s32 $0xFFFFF800  }
0x14e: {  	[spmem:s2] =	stream.indirect.scatter.add.f32 [tilespmem:s25], [sflag:$0x1], $0x80, s3, s24, $0xb8;
	[tilespmem:$0x1B400] =	vst v63  }
0x14f: {  	_ =	swait.ge [sflag:s22], $0x4000  }
0x150: {  	[sflag:s22] =	ssyncset.done $0x0  }
0x151: {  	[sflag:s22] =	ssyncadd.s32 $0xFFFFC000  }
0x152: {  	[spmem:s2] =	stream.indirect.scatter.add.f32 [tilespmem:s25], [sflag:$0x1], $0x80, s24, s24, $0xb8;
	[tilespmem:$0x1B400] =	vst v63  }
0x153: {  	_ =	swait.ge [sflag:s22], $0x4000  }
0x154: {  	[sflag:s22] =	ssyncset.done $0x0  }
0x155: {  	[sflag:s22] =	ssyncadd.s32 $0xFFFFC000  }
0x156: {  	[spmem:s2] =	stream.indirect.scatter.add.f32 [tilespmem:s25], [sflag:$0x1], $0x80, s26, s24, $0xb8;
	[tilespmem:$0x1B400] =	vst v63  }
0x157: {  	_ =	swait.ge [sflag:s22], $0x4000  }
0x158: {  	[sflag:s22] =	ssyncset.done $0x0  }
0x159: {  	[sflag:s22] =	ssyncadd.s32 $0xFFFFC000  }
0x15a: {  	[spmem:s2] =	stream.indirect.scatter.add.f32 [tilespmem:s25], [sflag:$0x1], $0x80, s28, s24, $0xb8;
	[tilespmem:$0x1B400] =	vst v63  }
0x15b: {  	_ =	swait.ge [sflag:s22], $0x4000  }
0x15c: {  	[sflag:s22] =	ssyncset.done $0x0  }
0x15d: {  	[sflag:s22] =	ssyncadd.s32 $0xFFFFC000  }
0x15e: {  	[spmem:s2] =	stream.indirect.scatter.add.f32 [tilespmem:s25], [sflag:$0x1], $0x80, s29, s24, $0xb8;
	[tilespmem:$0x1B400] =	vst v63  }
0x15f: {  	_ =	swait.ge [sflag:s22], $0x4000  }
0x160: {  	[sflag:s22] =	ssyncset.done $0x0  }
0x161: {  	[sflag:s22] =	ssyncadd.s32 $0xFFFFC000  }
0x162: {  	[spmem:s2] =	stream.indirect.scatter.add.f32 [tilespmem:s25], [sflag:$0x1], $0x80, s30, s24, $0xb8;
	[tilespmem:$0x1B400] =	vst v63  }
0x163: {  	_ =	swait.ge [sflag:s22], $0x4000  }
0x164: {  	[sflag:s22] =	ssyncset.done $0x0  }
0x165: {  	[sflag:s22] =	ssyncadd.s32 $0xFFFFC000  }
0x166: {  	[spmem:s2] =	stream.indirect.scatter.add.f32 [tilespmem:s25], [sflag:$0x1], $0x80, s31, s24, $0xb8;
	[tilespmem:$0x1B400] =	vst v63  }
0x167: {  	_ =	swait.ge [sflag:s22], $0x4000  }
0x168: {  	[sflag:s22] =	ssyncset.done $0x0  }
0x169: {  	[sflag:s22] =	ssyncadd.s32 $0xFFFFC000  }
0x16a: {  	[spmem:s2] =	stream.indirect.scatter.add.f32 [tilespmem:s25], [sflag:$0x1], $0x80, s0, s24, $0xb8;
	[tilespmem:$0x1B400] =	vst v63  }
0x16b: {  	_ =	swait.ge [sflag:s22], $0x4000  }
0x16c: {  	[sflag:s22] =	ssyncset.done $0x0  }
0x16d: {  	[sflag:s22] =	ssyncadd.s32 $0xFFFFC000  }
0x16e: {  	[spmem:s2] =	stream.indirect.scatter.add.f32 [tilespmem:s25], [sflag:$0x1], $0x80, s1, s24, $0xb8;
	[tilespmem:$0x1B400] =	vst v63  }
0x16f: {  	_ =	swait.ge [sflag:s22], $0x4000  }
0x170: {  	[sflag:s22] =	ssyncset.done $0x0  }
0x171: {  	[sflag:s22] =	ssyncadd.s32 $0xFFFFC000  }
0x172: {  	[spmem:s2] =	stream.indirect.scatter.add.f32 [tilespmem:s25], [sflag:$0x1], $0x80, s23, s24, $0xb8;
	[tilespmem:$0x1B400] =	vst v63  }
0x173: {  	_ =	swait.ge [sflag:s22], $0x4000  }
0x174: {  	[sflag:s22] =	ssyncset.done $0x0  }
0x175: {  	[sflag:s22] =	ssyncadd.s32 $0xFFFFC000  }
0x176: {  	[spmem:s2] =	stream.indirect.scatter.add.f32 [tilespmem:s25], [sflag:$0x1], $0x80, s6, s24, $0xb8;
	[tilespmem:$0x1B400] =	vst v63  }
0x177: {  	_ =	swait.ge [sflag:s22], $0x4000  }
0x178: {  	[sflag:s22] =	ssyncset.done $0x0  }
0x179: {  	s16 =	simm.s32 $0x580;
	[sflag:s22] =	ssyncadd.s32 $0xFFFFC000  }
0x17a: {  	[spmem:s2] =	stream.indirect.scatter.add.f32 [tilespmem:s25], [sflag:$0x1], $0x80, s16, s24, $0xb8;
	[tilespmem:$0x1B400] =	vst v63  }
0x17b: {  	_ =	swait.ge [sflag:s22], $0x4000  }
0x17c: {  	[sflag:s22] =	ssyncset.done $0x0  }
0x17d: {  	[sflag:s22] =	ssyncadd.s32 $0xFFFFC000  }
0x17e: {  	[spmem:s2] =	stream.indirect.scatter.add.f32 [tilespmem:s25], [sflag:$0x1], $0x80, s11, s24, $0xb8;
	[tilespmem:$0x1B400] =	vst v63  }
0x17f: {  	_ =	swait.ge [sflag:s22], $0x4000  }
0x180: {  	[sflag:s22] =	ssyncset.done $0x0  }
0x181: {  	[sflag:s22] =	ssyncadd.s32 $0xFFFFC000  }
0x182: {  	[spmem:s2] =	stream.indirect.scatter.add.f32 [tilespmem:s25], [sflag:$0x1], $0x80, s12, s24, $0xb8;
	[tilespmem:$0x1B400] =	vst v63  }
0x183: {  	_ =	swait.ge [sflag:s22], $0x4000  }
0x184: {  	[sflag:s22] =	ssyncset.done $0x0  }
0x185: {  	[sflag:s22] =	ssyncadd.s32 $0xFFFFC000  }
0x186: {  	[spmem:s2] =	stream.indirect.scatter.add.f32 [tilespmem:s25], [sflag:$0x1], $0x80, s13, s24, $0xb8;
	[tilespmem:$0x1B400] =	vst v63  }
0x187: {  	_ =	swait.ge [sflag:s22], $0x4000  }
0x188: {  	[sflag:s22] =	ssyncset.done $0x0  }
0x189: {  	[sflag:s22] =	ssyncadd.s32 $0xFFFFC000  }
0x18a: {  	[spmem:s2] =	stream.indirect.scatter.add.f32 [tilespmem:s25], [sflag:$0x1], $0x80, s14, s24, $0xb8;
	[tilespmem:$0x1B400] =	vst v63  }
0x18b: {  	_ =	swait.ge [sflag:s22], $0x4000  }
0x18c: {  	[sflag:s22] =	ssyncset.done $0x0  }
0x18d: {  	s17 =	rddreg [dreg:$0x9];
	[sflag:s22] =	ssyncadd.s32 $0xFFFFC000  }
0x18e: {  	[tilespmem:s3], [sflag:$0x1] =	stream.linear.gather [hbm4b:s17+s3], $0x800, $0x38;
	[tilespmem:$0x1B400] =	vst v63  }
0x18f: {  	_ =	swait.ge [sflag:s22], $0x800  }
0x190: {  	[sflag:s22] =	ssyncset.done $0x0  }
0x191: {  	[sflag:s22] =	ssyncadd.s32 $0xFFFFF800  }
0x192: {  	[spmem:s2] =	stream.indirect.scatter.add.f32 [tilespmem:s25], [sflag:$0x1], $0x80, s3, s24, $0xb8;
	[tilespmem:$0x1B400] =	vst v63  }
0x193: {  	_ =	swait.ge [sflag:s22], $0x4000  }
0x194: {  	[sflag:s22] =	ssyncset.done $0x0  }
0x195: {  	[sflag:s22] =	ssyncadd.s32 $0xFFFFC000  }
0x196: {  	[spmem:s2] =	stream.indirect.scatter.add.f32 [tilespmem:s25], [sflag:$0x1], $0x80, s24, s24, $0xb8;
	[tilespmem:$0x1B400] =	vst v63  }
0x197: {  	_ =	swait.ge [sflag:s22], $0x4000  }
0x198: {  	[sflag:s22] =	ssyncset.done $0x0  }
0x199: {  	[sflag:s22] =	ssyncadd.s32 $0xFFFFC000  }
0x19a: {  	[spmem:s2] =	stream.indirect.scatter.add.f32 [tilespmem:s25], [sflag:$0x1], $0x80, s26, s24, $0xb8;
	[tilespmem:$0x1B400] =	vst v63  }
0x19b: {  	_ =	swait.ge [sflag:s22], $0x4000  }
0x19c: {  	[sflag:s22] =	ssyncset.done $0x0  }
0x19d: {  	[sflag:s22] =	ssyncadd.s32 $0xFFFFC000  }
0x19e: {  	[spmem:s2] =	stream.indirect.scatter.add.f32 [tilespmem:s25], [sflag:$0x1], $0x80, s28, s24, $0xb8;
	[tilespmem:$0x1B400] =	vst v63  }
0x19f: {  	_ =	swait.ge [sflag:s22], $0x4000  }
0x1a0: {  	[sflag:s22] =	ssyncset.done $0x0  }
0x1a1: {  	[sflag:s22] =	ssyncadd.s32 $0xFFFFC000  }
0x1a2: {  	[spmem:s2] =	stream.indirect.scatter.add.f32 [tilespmem:s25], [sflag:$0x1], $0x80, s29, s24, $0xb8;
	[tilespmem:$0x1B400] =	vst v63  }
0x1a3: {  	_ =	swait.ge [sflag:s22], $0x4000  }
0x1a4: {  	[sflag:s22] =	ssyncset.done $0x0  }
0x1a5: {  	[sflag:s22] =	ssyncadd.s32 $0xFFFFC000  }
0x1a6: {  	[spmem:s2] =	stream.indirect.scatter.add.f32 [tilespmem:s25], [sflag:$0x1], $0x80, s30, s24, $0xb8;
	[tilespmem:$0x1B400] =	vst v63  }
0x1a7: {  	_ =	swait.ge [sflag:s22], $0x4000  }
0x1a8: {  	[sflag:s22] =	ssyncset.done $0x0  }
0x1a9: {  	[sflag:s22] =	ssyncadd.s32 $0xFFFFC000  }
0x1aa: {  	[spmem:s2] =	stream.indirect.scatter.add.f32 [tilespmem:s25], [sflag:$0x1], $0x80, s31, s24, $0xb8;
	[tilespmem:$0x1B400] =	vst v63  }
0x1ab: {  	_ =	swait.ge [sflag:s22], $0x4000  }
0x1ac: {  	[sflag:s22] =	ssyncset.done $0x0  }
0x1ad: {  	[sflag:s22] =	ssyncadd.s32 $0xFFFFC000  }
0x1ae: {  	[spmem:s2] =	stream.indirect.scatter.add.f32 [tilespmem:s25], [sflag:$0x1], $0x80, s0, s24, $0xb8;
	[tilespmem:$0x1B400] =	vst v63  }
0x1af: {  	_ =	swait.ge [sflag:s22], $0x4000  }
0x1b0: {  	[sflag:s22] =	ssyncset.done $0x0  }
0x1b1: {  	[sflag:s22] =	ssyncadd.s32 $0xFFFFC000  }
0x1b2: {  	[spmem:s2] =	stream.indirect.scatter.add.f32 [tilespmem:s25], [sflag:$0x1], $0x80, s1, s24, $0xb8;
	[tilespmem:$0x1B400] =	vst v63  }
0x1b3: {  	_ =	swait.ge [sflag:s22], $0x4000  }
0x1b4: {  	[sflag:s22] =	ssyncset.done $0x0  }
0x1b5: {  	[sflag:s22] =	ssyncadd.s32 $0xFFFFC000  }
0x1b6: {  	[spmem:s2] =	stream.indirect.scatter.add.f32 [tilespmem:s25], [sflag:$0x1], $0x80, s23, s24, $0xb8;
	[tilespmem:$0x1B400] =	vst v63  }
0x1b7: {  	_ =	swait.ge [sflag:s22], $0x4000  }
0x1b8: {  	[sflag:s22] =	ssyncset.done $0x0  }
0x1b9: {  	[sflag:s22] =	ssyncadd.s32 $0xFFFFC000  }
0x1ba: {  	[spmem:s2] =	stream.indirect.scatter.add.f32 [tilespmem:s25], [sflag:$0x1], $0x80, s6, s24, $0xb8;
	[tilespmem:$0x1B400] =	vst v63  }
0x1bb: {  	_ =	swait.ge [sflag:s22], $0x4000  }
0x1bc: {  	[sflag:s22] =	ssyncset.done $0x0  }
0x1bd: {  	[sflag:s22] =	ssyncadd.s32 $0xFFFFC000  }
0x1be: {  	[spmem:s2] =	stream.indirect.scatter.add.f32 [tilespmem:s25], [sflag:$0x1], $0x80, s16, s24, $0xb8;
	[tilespmem:$0x1B400] =	vst v63  }
0x1bf: {  	_ =	swait.ge [sflag:s22], $0x4000  }
0x1c0: {  	[sflag:s22] =	ssyncset.done $0x0  }
0x1c1: {  	[sflag:s22] =	ssyncadd.s32 $0xFFFFC000  }
0x1c2: {  	[spmem:s2] =	stream.indirect.scatter.add.f32 [tilespmem:s25], [sflag:$0x1], $0x80, s11, s24, $0xb8;
	[tilespmem:$0x1B400] =	vst v63  }
0x1c3: {  	_ =	swait.ge [sflag:s22], $0x4000  }
0x1c4: {  	[sflag:s22] =	ssyncset.done $0x0  }
0x1c5: {  	[sflag:s22] =	ssyncadd.s32 $0xFFFFC000  }
0x1c6: {  	[spmem:s2] =	stream.indirect.scatter.add.f32 [tilespmem:s25], [sflag:$0x1], $0x80, s12, s24, $0xb8;
	[tilespmem:$0x1B400] =	vst v63  }
0x1c7: {  	_ =	swait.ge [sflag:s22], $0x4000  }
0x1c8: {  	[sflag:s22] =	ssyncset.done $0x0  }
0x1c9: {  	[sflag:s22] =	ssyncadd.s32 $0xFFFFC000  }
0x1ca: {  	[spmem:s2] =	stream.indirect.scatter.add.f32 [tilespmem:s25], [sflag:$0x1], $0x80, s13, s24, $0xb8;
	[tilespmem:$0x1B400] =	vst v63  }
0x1cb: {  	_ =	swait.ge [sflag:s22], $0x4000  }
0x1cc: {  	[sflag:s22] =	ssyncset.done $0x0  }
0x1cd: {  	[sflag:s22] =	ssyncadd.s32 $0xFFFFC000  }
0x1ce: {  	[spmem:s2] =	stream.indirect.scatter.add.f32 [tilespmem:s25], [sflag:$0x1], $0x80, s14, s24, $0xb8;
	[tilespmem:$0x1B400] =	vst v63  }
0x1cf: {  	_ =	swait.ge [sflag:s22], $0x4000  }
0x1d0: {  	[sflag:s22] =	ssyncset.done $0x0  }
0x1d1: {  	s17 =	rddreg [dreg:$0xa];
	[sflag:s22] =	ssyncadd.s32 $0xFFFFC000  }
0x1d2: {  	[tilespmem:s3], [sflag:$0x1] =	stream.linear.gather [hbm4b:s17+s3], $0x800, $0x38;
	[tilespmem:$0x1B400] =	vst v63  }
0x1d3: {  	_ =	swait.ge [sflag:s22], $0x800  }
0x1d4: {  	[sflag:s22] =	ssyncset.done $0x0  }
0x1d5: {  	[sflag:s22] =	ssyncadd.s32 $0xFFFFF800  }
0x1d6: {  	[spmem:s2] =	stream.indirect.scatter.add.f32 [tilespmem:s25], [sflag:$0x1], $0x80, s3, s24, $0xb8;
	[tilespmem:$0x1B400] =	vst v63  }
0x1d7: {  	_ =	swait.ge [sflag:s22], $0x4000  }
0x1d8: {  	[sflag:s22] =	ssyncset.done $0x0  }
0x1d9: {  	[sflag:s22] =	ssyncadd.s32 $0xFFFFC000  }
0x1da: {  	[spmem:s2] =	stream.indirect.scatter.add.f32 [tilespmem:s25], [sflag:$0x1], $0x80, s24, s24, $0xb8;
	[tilespmem:$0x1B400] =	vst v63  }
0x1db: {  	_ =	swait.ge [sflag:s22], $0x4000  }
0x1dc: {  	[sflag:s22] =	ssyncset.done $0x0  }
0x1dd: {  	[sflag:s22] =	ssyncadd.s32 $0xFFFFC000  }
0x1de: {  	[spmem:s2] =	stream.indirect.scatter.add.f32 [tilespmem:s25], [sflag:$0x1], $0x80, s26, s24, $0xb8;
	[tilespmem:$0x1B400] =	vst v63  }
0x1df: {  	_ =	swait.ge [sflag:s22], $0x4000  }
0x1e0: {  	[sflag:s22] =	ssyncset.done $0x0  }
0x1e1: {  	[sflag:s22] =	ssyncadd.s32 $0xFFFFC000  }
0x1e2: {  	[spmem:s2] =	stream.indirect.scatter.add.f32 [tilespmem:s25], [sflag:$0x1], $0x80, s28, s24, $0xb8;
	[tilespmem:$0x1B400] =	vst v63  }
0x1e3: {  	_ =	swait.ge [sflag:s22], $0x4000  }
0x1e4: {  	[sflag:s22] =	ssyncset.done $0x0  }
0x1e5: {  	[sflag:s22] =	ssyncadd.s32 $0xFFFFC000  }
0x1e6: {  	[spmem:s2] =	stream.indirect.scatter.add.f32 [tilespmem:s25], [sflag:$0x1], $0x80, s29, s24, $0xb8;
	[tilespmem:$0x1B400] =	vst v63  }
0x1e7: {  	_ =	swait.ge [sflag:s22], $0x4000  }
0x1e8: {  	[sflag:s22] =	ssyncset.done $0x0  }
0x1e9: {  	[sflag:s22] =	ssyncadd.s32 $0xFFFFC000  }
0x1ea: {  	[spmem:s2] =	stream.indirect.scatter.add.f32 [tilespmem:s25], [sflag:$0x1], $0x80, s30, s24, $0xb8;
	[tilespmem:$0x1B400] =	vst v63  }
0x1eb: {  	_ =	swait.ge [sflag:s22], $0x4000  }
0x1ec: {  	[sflag:s22] =	ssyncset.done $0x0  }
0x1ed: {  	[sflag:s22] =	ssyncadd.s32 $0xFFFFC000  }
0x1ee: {  	[spmem:s2] =	stream.indirect.scatter.add.f32 [tilespmem:s25], [sflag:$0x1], $0x80, s31, s24, $0xb8;
	[tilespmem:$0x1B400] =	vst v63  }
0x1ef: {  	_ =	swait.ge [sflag:s22], $0x4000  }
0x1f0: {  	[sflag:s22] =	ssyncset.done $0x0  }
0x1f1: {  	[sflag:s22] =	ssyncadd.s32 $0xFFFFC000  }
0x1f2: {  	[spmem:s2] =	stream.indirect.scatter.add.f32 [tilespmem:s25], [sflag:$0x1], $0x80, s0, s24, $0xb8;
	[tilespmem:$0x1B400] =	vst v63  }
0x1f3: {  	_ =	swait.ge [sflag:s22], $0x4000  }
0x1f4: {  	[sflag:s22] =	ssyncset.done $0x0  }
0x1f5: {  	[sflag:s22] =	ssyncadd.s32 $0xFFFFC000  }
0x1f6: {  	[spmem:s2] =	stream.indirect.scatter.add.f32 [tilespmem:s25], [sflag:$0x1], $0x80, s1, s24, $0xb8;
	[tilespmem:$0x1B400] =	vst v63  }
0x1f7: {  	_ =	swait.ge [sflag:s22], $0x4000  }
0x1f8: {  	[sflag:s22] =	ssyncset.done $0x0  }
0x1f9: {  	[sflag:s22] =	ssyncadd.s32 $0xFFFFC000  }
0x1fa: {  	[spmem:s2] =	stream.indirect.scatter.add.f32 [tilespmem:s25], [sflag:$0x1], $0x80, s23, s24, $0xb8;
	[tilespmem:$0x1B400] =	vst v63  }
0x1fb: {  	_ =	swait.ge [sflag:s22], $0x4000  }
0x1fc: {  	[sflag:s22] =	ssyncset.done $0x0  }
0x1fd: {  	[sflag:s22] =	ssyncadd.s32 $0xFFFFC000  }
0x1fe: {  	[spmem:s2] =	stream.indirect.scatter.add.f32 [tilespmem:s25], [sflag:$0x1], $0x80, s6, s24, $0xb8;
	[tilespmem:$0x1B400] =	vst v63  }
0x1ff: {  	_ =	swait.ge [sflag:s22], $0x4000  }
0x200: {  	[sflag:s22] =	ssyncset.done $0x0  }
0x201: {  	[sflag:s22] =	ssyncadd.s32 $0xFFFFC000  }
0x202: {  	[spmem:s2] =	stream.indirect.scatter.add.f32 [tilespmem:s25], [sflag:$0x1], $0x80, s16, s24, $0xb8;
	[tilespmem:$0x1B400] =	vst v63  }
0x203: {  	_ =	swait.ge [sflag:s22], $0x4000  }
0x204: {  	[sflag:s22] =	ssyncset.done $0x0  }
0x205: {  	[sflag:s22] =	ssyncadd.s32 $0xFFFFC000  }
0x206: {  	[spmem:s2] =	stream.indirect.scatter.add.f32 [tilespmem:s25], [sflag:$0x1], $0x80, s11, s24, $0xb8;
	[tilespmem:$0x1B400] =	vst v63  }
0x207: {  	_ =	swait.ge [sflag:s22], $0x4000  }
0x208: {  	[sflag:s22] =	ssyncset.done $0x0  }
0x209: {  	[sflag:s22] =	ssyncadd.s32 $0xFFFFC000  }
0x20a: {  	[spmem:s2] =	stream.indirect.scatter.add.f32 [tilespmem:s25], [sflag:$0x1], $0x80, s12, s24, $0xb8;
	[tilespmem:$0x1B400] =	vst v63  }
0x20b: {  	_ =	swait.ge [sflag:s22], $0x4000  }
0x20c: {  	[sflag:s22] =	ssyncset.done $0x0  }
0x20d: {  	[sflag:s22] =	ssyncadd.s32 $0xFFFFC000  }
0x20e: {  	[spmem:s2] =	stream.indirect.scatter.add.f32 [tilespmem:s25], [sflag:$0x1], $0x80, s13, s24, $0xb8;
	[tilespmem:$0x1B400] =	vst v63  }
0x20f: {  	_ =	swait.ge [sflag:s22], $0x4000  }
0x210: {  	[sflag:s22] =	ssyncset.done $0x0  }
0x211: {  	[sflag:s22] =	ssyncadd.s32 $0xFFFFC000  }
0x212: {  	[spmem:s2] =	stream.indirect.scatter.add.f32 [tilespmem:s25], [sflag:$0x1], $0x80, s14, s24, $0xb8;
	[tilespmem:$0x1B400] =	vst v63  }
0x213: {  	_ =	swait.ge [sflag:s22], $0x4000  }
0x214: {  	[sflag:s22] =	ssyncset.done $0x0  }
0x215: {  	s17 =	rddreg [dreg:$0xb];
	[sflag:s22] =	ssyncadd.s32 $0xFFFFC000  }
0x216: {  	[tilespmem:s3], [sflag:$0x1] =	stream.linear.gather [hbm4b:s17+s3], $0x800, $0x38;
	[tilespmem:$0x1B400] =	vst v63  }
0x217: {  	_ =	swait.ge [sflag:s22], $0x800  }
0x218: {  	[sflag:s22] =	ssyncset.done $0x0  }
0x219: {  	[sflag:s22] =	ssyncadd.s32 $0xFFFFF800  }
0x21a: {  	[spmem:s2] =	stream.indirect.scatter.add.f32 [tilespmem:s25], [sflag:$0x1], $0x80, s3, s24, $0xb8;
	[tilespmem:$0x1B400] =	vst v63  }
0x21b: {  	_ =	swait.ge [sflag:s22], $0x4000  }
0x21c: {  	[sflag:s22] =	ssyncset.done $0x0  }
0x21d: {  	[sflag:s22] =	ssyncadd.s32 $0xFFFFC000  }
0x21e: {  	[spmem:s2] =	stream.indirect.scatter.add.f32 [tilespmem:s25], [sflag:$0x1], $0x80, s24, s24, $0xb8;
	[tilespmem:$0x1B400] =	vst v63  }
0x21f: {  	_ =	swait.ge [sflag:s22], $0x4000  }
0x220: {  	[sflag:s22] =	ssyncset.done $0x0  }
0x221: {  	[sflag:s22] =	ssyncadd.s32 $0xFFFFC000  }
0x222: {  	[spmem:s2] =	stream.indirect.scatter.add.f32 [tilespmem:s25], [sflag:$0x1], $0x80, s26, s24, $0xb8;
	[tilespmem:$0x1B400] =	vst v63  }
0x223: {  	_ =	swait.ge [sflag:s22], $0x4000  }
0x224: {  	[sflag:s22] =	ssyncset.done $0x0  }
0x225: {  	[sflag:s22] =	ssyncadd.s32 $0xFFFFC000  }
0x226: {  	[spmem:s2] =	stream.indirect.scatter.add.f32 [tilespmem:s25], [sflag:$0x1], $0x80, s28, s24, $0xb8;
	[tilespmem:$0x1B400] =	vst v63  }
0x227: {  	_ =	swait.ge [sflag:s22], $0x4000  }
0x228: {  	[sflag:s22] =	ssyncset.done $0x0  }
0x229: {  	[sflag:s22] =	ssyncadd.s32 $0xFFFFC000  }
0x22a: {  	[spmem:s2] =	stream.indirect.scatter.add.f32 [tilespmem:s25], [sflag:$0x1], $0x80, s29, s24, $0xb8;
	[tilespmem:$0x1B400] =	vst v63  }
0x22b: {  	_ =	swait.ge [sflag:s22], $0x4000  }
0x22c: {  	[sflag:s22] =	ssyncset.done $0x0  }
0x22d: {  	[sflag:s22] =	ssyncadd.s32 $0xFFFFC000  }
0x22e: {  	[spmem:s2] =	stream.indirect.scatter.add.f32 [tilespmem:s25], [sflag:$0x1], $0x80, s30, s24, $0xb8;
	[tilespmem:$0x1B400] =	vst v63  }
0x22f: {  	_ =	swait.ge [sflag:s22], $0x4000  }
0x230: {  	[sflag:s22] =	ssyncset.done $0x0  }
0x231: {  	[sflag:s22] =	ssyncadd.s32 $0xFFFFC000  }
0x232: {  	[spmem:s2] =	stream.indirect.scatter.add.f32 [tilespmem:s25], [sflag:$0x1], $0x80, s31, s24, $0xb8;
	[tilespmem:$0x1B400] =	vst v63  }
0x233: {  	_ =	swait.ge [sflag:s22], $0x4000  }
0x234: {  	[sflag:s22] =	ssyncset.done $0x0  }
0x235: {  	[sflag:s22] =	ssyncadd.s32 $0xFFFFC000  }
0x236: {  	[spmem:s2] =	stream.indirect.scatter.add.f32 [tilespmem:s25], [sflag:$0x1], $0x80, s0, s24, $0xb8;
	[tilespmem:$0x1B400] =	vst v63  }
0x237: {  	_ =	swait.ge [sflag:s22], $0x4000  }
0x238: {  	[sflag:s22] =	ssyncset.done $0x0  }
0x239: {  	[sflag:s22] =	ssyncadd.s32 $0xFFFFC000  }
0x23a: {  	[spmem:s2] =	stream.indirect.scatter.add.f32 [tilespmem:s25], [sflag:$0x1], $0x80, s1, s24, $0xb8;
	[tilespmem:$0x1B400] =	vst v63  }
0x23b: {  	_ =	swait.ge [sflag:s22], $0x4000  }
0x23c: {  	[sflag:s22] =	ssyncset.done $0x0  }
0x23d: {  	[sflag:s22] =	ssyncadd.s32 $0xFFFFC000  }
0x23e: {  	[spmem:s2] =	stream.indirect.scatter.add.f32 [tilespmem:s25], [sflag:$0x1], $0x80, s23, s24, $0xb8;
	[tilespmem:$0x1B400] =	vst v63  }
0x23f: {  	_ =	swait.ge [sflag:s22], $0x4000  }
0x240: {  	[sflag:s22] =	ssyncset.done $0x0  }
0x241: {  	[sflag:s22] =	ssyncadd.s32 $0xFFFFC000  }
0x242: {  	[spmem:s2] =	stream.indirect.scatter.add.f32 [tilespmem:s25], [sflag:$0x1], $0x80, s6, s24, $0xb8;
	[tilespmem:$0x1B400] =	vst v63  }
0x243: {  	_ =	swait.ge [sflag:s22], $0x4000  }
0x244: {  	[sflag:s22] =	ssyncset.done $0x0  }
0x245: {  	[sflag:s22] =	ssyncadd.s32 $0xFFFFC000  }
0x246: {  	[spmem:s2] =	stream.indirect.scatter.add.f32 [tilespmem:s25], [sflag:$0x1], $0x80, s16, s24, $0xb8;
	[tilespmem:$0x1B400] =	vst v63  }
0x247: {  	_ =	swait.ge [sflag:s22], $0x4000  }
0x248: {  	[sflag:s22] =	ssyncset.done $0x0  }
0x249: {  	[sflag:s22] =	ssyncadd.s32 $0xFFFFC000  }
0x24a: {  	[spmem:s2] =	stream.indirect.scatter.add.f32 [tilespmem:s25], [sflag:$0x1], $0x80, s11, s24, $0xb8;
	[tilespmem:$0x1B400] =	vst v63  }
0x24b: {  	_ =	swait.ge [sflag:s22], $0x4000  }
0x24c: {  	[sflag:s22] =	ssyncset.done $0x0  }
0x24d: {  	[sflag:s22] =	ssyncadd.s32 $0xFFFFC000  }
0x24e: {  	[spmem:s2] =	stream.indirect.scatter.add.f32 [tilespmem:s25], [sflag:$0x1], $0x80, s12, s24, $0xb8;
	[tilespmem:$0x1B400] =	vst v63  }
0x24f: {  	_ =	swait.ge [sflag:s22], $0x4000  }
0x250: {  	[sflag:s22] =	ssyncset.done $0x0  }
0x251: {  	[sflag:s22] =	ssyncadd.s32 $0xFFFFC000  }
0x252: {  	[spmem:s2] =	stream.indirect.scatter.add.f32 [tilespmem:s25], [sflag:$0x1], $0x80, s13, s24, $0xb8;
	[tilespmem:$0x1B400] =	vst v63  }
0x253: {  	_ =	swait.ge [sflag:s22], $0x4000  }
0x254: {  	[sflag:s22] =	ssyncset.done $0x0  }
0x255: {  	[sflag:s22] =	ssyncadd.s32 $0xFFFFC000  }
0x256: {  	[spmem:s2] =	stream.indirect.scatter.add.f32 [tilespmem:s25], [sflag:$0x1], $0x80, s14, s24, $0xb8;
	[tilespmem:$0x1B400] =	vst v63  }
0x257: {  	_ =	swait.ge [sflag:s22], $0x4000  }
0x258: {  	[sflag:s22] =	ssyncset.done $0x0  }
0x259: {  	s17 =	rddreg [dreg:$0xc];
	[sflag:s22] =	ssyncadd.s32 $0xFFFFC000  }
0x25a: {  	[tilespmem:s3], [sflag:$0x1] =	stream.linear.gather [hbm4b:s17+s3], $0x800, $0x38;
	[tilespmem:$0x1B400] =	vst v63  }
0x25b: {  	_ =	swait.ge [sflag:s22], $0x800  }
0x25c: {  	[sflag:s22] =	ssyncset.done $0x0  }
0x25d: {  	[sflag:s22] =	ssyncadd.s32 $0xFFFFF800  }
0x25e: {  	[spmem:s2] =	stream.indirect.scatter.add.f32 [tilespmem:s25], [sflag:$0x1], $0x80, s3, s24, $0xb8;
	[tilespmem:$0x1B400] =	vst v63  }
0x25f: {  	_ =	swait.ge [sflag:s22], $0x4000  }
0x260: {  	[sflag:s22] =	ssyncset.done $0x0  }
0x261: {  	[sflag:s22] =	ssyncadd.s32 $0xFFFFC000  }
0x262: {  	[spmem:s2] =	stream.indirect.scatter.add.f32 [tilespmem:s25], [sflag:$0x1], $0x80, s24, s24, $0xb8;
	[tilespmem:$0x1B400] =	vst v63  }
0x263: {  	_ =	swait.ge [sflag:s22], $0x4000  }
0x264: {  	[sflag:s22] =	ssyncset.done $0x0  }
0x265: {  	[sflag:s22] =	ssyncadd.s32 $0xFFFFC000  }
0x266: {  	[spmem:s2] =	stream.indirect.scatter.add.f32 [tilespmem:s25], [sflag:$0x1], $0x80, s26, s24, $0xb8;
	[tilespmem:$0x1B400] =	vst v63  }
0x267: {  	_ =	swait.ge [sflag:s22], $0x4000  }
0x268: {  	[sflag:s22] =	ssyncset.done $0x0  }
0x269: {  	[sflag:s22] =	ssyncadd.s32 $0xFFFFC000  }
0x26a: {  	[spmem:s2] =	stream.indirect.scatter.add.f32 [tilespmem:s25], [sflag:$0x1], $0x80, s28, s24, $0xb8;
	[tilespmem:$0x1B400] =	vst v63  }
0x26b: {  	_ =	swait.ge [sflag:s22], $0x4000  }
0x26c: {  	[sflag:s22] =	ssyncset.done $0x0  }
0x26d: {  	[sflag:s22] =	ssyncadd.s32 $0xFFFFC000  }
0x26e: {  	[spmem:s2] =	stream.indirect.scatter.add.f32 [tilespmem:s25], [sflag:$0x1], $0x80, s29, s24, $0xb8;
	[tilespmem:$0x1B400] =	vst v63  }
0x26f: {  	_ =	swait.ge [sflag:s22], $0x4000  }
0x270: {  	[sflag:s22] =	ssyncset.done $0x0  }
0x271: {  	[sflag:s22] =	ssyncadd.s32 $0xFFFFC000  }
0x272: {  	[spmem:s2] =	stream.indirect.scatter.add.f32 [tilespmem:s25], [sflag:$0x1], $0x80, s30, s24, $0xb8;
	[tilespmem:$0x1B400] =	vst v63  }
0x273: {  	_ =	swait.ge [sflag:s22], $0x4000  }
0x274: {  	[sflag:s22] =	ssyncset.done $0x0  }
0x275: {  	[sflag:s22] =	ssyncadd.s32 $0xFFFFC000  }
0x276: {  	[spmem:s2] =	stream.indirect.scatter.add.f32 [tilespmem:s25], [sflag:$0x1], $0x80, s31, s24, $0xb8;
	[tilespmem:$0x1B400] =	vst v63  }
0x277: {  	_ =	swait.ge [sflag:s22], $0x4000  }
0x278: {  	[sflag:s22] =	ssyncset.done $0x0  }
0x279: {  	[sflag:s22] =	ssyncadd.s32 $0xFFFFC000  }
0x27a: {  	[spmem:s2] =	stream.indirect.scatter.add.f32 [tilespmem:s25], [sflag:$0x1], $0x80, s0, s24, $0xb8;
	[tilespmem:$0x1B400] =	vst v63  }
0x27b: {  	_ =	swait.ge [sflag:s22], $0x4000  }
0x27c: {  	[sflag:s22] =	ssyncset.done $0x0  }
0x27d: {  	[sflag:s22] =	ssyncadd.s32 $0xFFFFC000  }
0x27e: {  	[spmem:s2] =	stream.indirect.scatter.add.f32 [tilespmem:s25], [sflag:$0x1], $0x80, s1, s24, $0xb8;
	[tilespmem:$0x1B400] =	vst v63  }
0x27f: {  	_ =	swait.ge [sflag:s22], $0x4000  }
0x280: {  	[sflag:s22] =	ssyncset.done $0x0  }
0x281: {  	[sflag:s22] =	ssyncadd.s32 $0xFFFFC000  }
0x282: {  	[spmem:s2] =	stream.indirect.scatter.add.f32 [tilespmem:s25], [sflag:$0x1], $0x80, s23, s24, $0xb8;
	[tilespmem:$0x1B400] =	vst v63  }
0x283: {  	_ =	swait.ge [sflag:s22], $0x4000  }
0x284: {  	[sflag:s22] =	ssyncset.done $0x0  }
0x285: {  	[sflag:s22] =	ssyncadd.s32 $0xFFFFC000  }
0x286: {  	[spmem:s2] =	stream.indirect.scatter.add.f32 [tilespmem:s25], [sflag:$0x1], $0x80, s6, s24, $0xb8;
	[tilespmem:$0x1B400] =	vst v63  }
0x287: {  	_ =	swait.ge [sflag:s22], $0x4000  }
0x288: {  	[sflag:s22] =	ssyncset.done $0x0  }
0x289: {  	[sflag:s22] =	ssyncadd.s32 $0xFFFFC000  }
0x28a: {  	[spmem:s2] =	stream.indirect.scatter.add.f32 [tilespmem:s25], [sflag:$0x1], $0x80, s16, s24, $0xb8;
	[tilespmem:$0x1B400] =	vst v63  }
0x28b: {  	_ =	swait.ge [sflag:s22], $0x4000  }
0x28c: {  	[sflag:s22] =	ssyncset.done $0x0  }
0x28d: {  	[sflag:s22] =	ssyncadd.s32 $0xFFFFC000  }
0x28e: {  	[spmem:s2] =	stream.indirect.scatter.add.f32 [tilespmem:s25], [sflag:$0x1], $0x80, s11, s24, $0xb8;
	[tilespmem:$0x1B400] =	vst v63  }
0x28f: {  	_ =	swait.ge [sflag:s22], $0x4000  }
0x290: {  	[sflag:s22] =	ssyncset.done $0x0  }
0x291: {  	[sflag:s22] =	ssyncadd.s32 $0xFFFFC000  }
0x292: {  	[spmem:s2] =	stream.indirect.scatter.add.f32 [tilespmem:s25], [sflag:$0x1], $0x80, s12, s24, $0xb8;
	[tilespmem:$0x1B400] =	vst v63  }
0x293: {  	_ =	swait.ge [sflag:s22], $0x4000  }
0x294: {  	[sflag:s22] =	ssyncset.done $0x0  }
0x295: {  	[sflag:s22] =	ssyncadd.s32 $0xFFFFC000  }
0x296: {  	[spmem:s2] =	stream.indirect.scatter.add.f32 [tilespmem:s25], [sflag:$0x1], $0x80, s13, s24, $0xb8;
	[tilespmem:$0x1B400] =	vst v63  }
0x297: {  	_ =	swait.ge [sflag:s22], $0x4000  }
0x298: {  	[sflag:s22] =	ssyncset.done $0x0  }
0x299: {  	[sflag:s22] =	ssyncadd.s32 $0xFFFFC000  }
0x29a: {  	[spmem:s2] =	stream.indirect.scatter.add.f32 [tilespmem:s25], [sflag:$0x1], $0x80, s14, s24, $0xb8;
	[tilespmem:$0x1B400] =	vst v63  }
0x29b: {  	_ =	swait.ge [sflag:s22], $0x4000  }
0x29c: {  	[sflag:s22] =	ssyncset.done $0x0  }
0x29d: {  	s17 =	rddreg [dreg:$0xd];
	[sflag:s22] =	ssyncadd.s32 $0xFFFFC000  }
0x29e: {  	[tilespmem:s3], [sflag:$0x1] =	stream.linear.gather [hbm4b:s17+s3], $0x800, $0x38;
	[tilespmem:$0x1B400] =	vst v63  }
0x29f: {  	_ =	swait.ge [sflag:s22], $0x800  }
0x2a0: {  	[sflag:s22] =	ssyncset.done $0x0  }
0x2a1: {  	[sflag:s22] =	ssyncadd.s32 $0xFFFFF800  }
0x2a2: {  	[spmem:s2] =	stream.indirect.scatter.add.f32 [tilespmem:s25], [sflag:$0x1], $0x80, s3, s24, $0xb8;
	[tilespmem:$0x1B400] =	vst v63  }
0x2a3: {  	_ =	swait.ge [sflag:s22], $0x4000  }
0x2a4: {  	[sflag:s22] =	ssyncset.done $0x0  }
0x2a5: {  	[sflag:s22] =	ssyncadd.s32 $0xFFFFC000  }
0x2a6: {  	[spmem:s2] =	stream.indirect.scatter.add.f32 [tilespmem:s25], [sflag:$0x1], $0x80, s24, s24, $0xb8;
	[tilespmem:$0x1B400] =	vst v63  }
0x2a7: {  	_ =	swait.ge [sflag:s22], $0x4000  }
0x2a8: {  	[sflag:s22] =	ssyncset.done $0x0  }
0x2a9: {  	[sflag:s22] =	ssyncadd.s32 $0xFFFFC000  }
0x2aa: {  	[spmem:s2] =	stream.indirect.scatter.add.f32 [tilespmem:s25], [sflag:$0x1], $0x80, s26, s24, $0xb8;
	[tilespmem:$0x1B400] =	vst v63  }
0x2ab: {  	_ =	swait.ge [sflag:s22], $0x4000  }
0x2ac: {  	[sflag:s22] =	ssyncset.done $0x0  }
0x2ad: {  	[sflag:s22] =	ssyncadd.s32 $0xFFFFC000  }
0x2ae: {  	[spmem:s2] =	stream.indirect.scatter.add.f32 [tilespmem:s25], [sflag:$0x1], $0x80, s28, s24, $0xb8;
	[tilespmem:$0x1B400] =	vst v63  }
0x2af: {  	_ =	swait.ge [sflag:s22], $0x4000  }
0x2b0: {  	[sflag:s22] =	ssyncset.done $0x0  }
0x2b1: {  	[sflag:s22] =	ssyncadd.s32 $0xFFFFC000  }
0x2b2: {  	[spmem:s2] =	stream.indirect.scatter.add.f32 [tilespmem:s25], [sflag:$0x1], $0x80, s29, s24, $0xb8;
	[tilespmem:$0x1B400] =	vst v63  }
0x2b3: {  	_ =	swait.ge [sflag:s22], $0x4000  }
0x2b4: {  	[sflag:s22] =	ssyncset.done $0x0  }
0x2b5: {  	[sflag:s22] =	ssyncadd.s32 $0xFFFFC000  }
0x2b6: {  	[spmem:s2] =	stream.indirect.scatter.add.f32 [tilespmem:s25], [sflag:$0x1], $0x80, s30, s24, $0xb8;
	[tilespmem:$0x1B400] =	vst v63  }
0x2b7: {  	_ =	swait.ge [sflag:s22], $0x4000  }
0x2b8: {  	[sflag:s22] =	ssyncset.done $0x0  }
0x2b9: {  	[sflag:s22] =	ssyncadd.s32 $0xFFFFC000  }
0x2ba: {  	[spmem:s2] =	stream.indirect.scatter.add.f32 [tilespmem:s25], [sflag:$0x1], $0x80, s31, s24, $0xb8;
	[tilespmem:$0x1B400] =	vst v63  }
0x2bb: {  	_ =	swait.ge [sflag:s22], $0x4000  }
0x2bc: {  	[sflag:s22] =	ssyncset.done $0x0  }
0x2bd: {  	[sflag:s22] =	ssyncadd.s32 $0xFFFFC000  }
0x2be: {  	[spmem:s2] =	stream.indirect.scatter.add.f32 [tilespmem:s25], [sflag:$0x1], $0x80, s0, s24, $0xb8;
	[tilespmem:$0x1B400] =	vst v63  }
0x2bf: {  	_ =	swait.ge [sflag:s22], $0x4000  }
0x2c0: {  	[sflag:s22] =	ssyncset.done $0x0  }
0x2c1: {  	[sflag:s22] =	ssyncadd.s32 $0xFFFFC000  }
0x2c2: {  	[spmem:s2] =	stream.indirect.scatter.add.f32 [tilespmem:s25], [sflag:$0x1], $0x80, s1, s24, $0xb8;
	[tilespmem:$0x1B400] =	vst v63  }
0x2c3: {  	_ =	swait.ge [sflag:s22], $0x4000  }
0x2c4: {  	[sflag:s22] =	ssyncset.done $0x0  }
0x2c5: {  	[sflag:s22] =	ssyncadd.s32 $0xFFFFC000  }
0x2c6: {  	[spmem:s2] =	stream.indirect.scatter.add.f32 [tilespmem:s25], [sflag:$0x1], $0x80, s23, s24, $0xb8;
	[tilespmem:$0x1B400] =	vst v63  }
0x2c7: {  	_ =	swait.ge [sflag:s22], $0x4000  }
0x2c8: {  	[sflag:s22] =	ssyncset.done $0x0  }
.Ltmp3:
0x2c9: {  	[sflag:s22] =	ssyncadd.s32 $0xFFFFC000;
	(pc) =	sbr.rel .LBB2_4-.Ltmp3, $4  }
0x2ca: {  	[spmem:s2] =	stream.indirect.scatter.add.f32 [tilespmem:s25], [sflag:$0x1], $0x80, s6, s24, $0xb8;
	[tilespmem:$0x1B400] =	vst v63  }
0x2cb: {  	_ =	swait.ge [sflag:s22], $0x4000  }
0x2cc: {  	[sflag:s22] =	ssyncset.done $0x0  }
0x2cd: {  	[sflag:s22] =	ssyncadd.s32 $0xFFFFC000  }
.LBB2_5:
0x2ce: {  	_ =	sfence.sel $0x180000  }
0x2cf: {  	[bflag:$0x0] =	sbarrier.arrive $0xFFFF  }
0x2d0: {  	_ =	strace $0x90000047  }
0x2d1: {  	s0 =	stileid.u32;
	[bflag:$0x2] =	sbarrier.arrive $0xFFFF  }
0x2d2: {  	p0 =	sne.s32 s0, $0x0;
	s0 =	rddreg [dreg:$0x6]  }
0x2d3: {  	s0 =	sadd.s32 @!p0 $0x100000, s0  }
0x2d4: {  	[sflag:s0] =	ssyncadd.tile.s32 @!p0 $0x1;
	_ =	shalt  }
.Lfunc_end2:
_tile_overlayer_lowered:
.L_overlay_start_2:
0x2d5: {  	(tag) =	ssettag $0x2  }
0x2d6: {  	s0 =	rddreg [dreg:$0x0];
	s2 =	stileid.u32  }
0x2d7: {  	s1 =	rddreg [dreg:$0x1];
	p0 =	sne.s32 s2, $0x0  }
0x2d8: {  	s3 =	rddreg [dreg:$0x2];
	[bflag:$0x3] =	sbarrier.arrive $0xFFFF;
	s2 =	simm.s32 @!p0 $0x1C01  }
0x2d9: {  	[timem:s3], [sflag:s2] =	dma.local @!p0 [hbm:s0], s1  }
0x2da: {  	s0 =	simm.s32 @!p0 $0x1  }
0x2db: {  	_ =	swait.ge @!p0 [sflag:s0], s1  }
0x2dc: {  	s1 =	ssub.s32 @!p0 $0x0, s1;
	[sflag:s0] =	ssyncset.done @!p0 $0x0  }
0x2dd: {  	[sflag:s0] =	ssyncadd.s32 @!p0 s1  }
0x2de: {  	[bflag:$0x3] =	sbarrier.arrive $0xFFFF  }
0x2df: {  	_ =	shalt  }

</sc_bundles>
